<compile_context>
chip_gen: v7x
topology: tpu7x:2x2x1
jax: 0.10.2.dev20260603
libtpu: 0.0.44.dev20260713+nightly
codegen_flags: <defaults>
</compile_context>

<pallas_src>
import functools

import jax
import jax.numpy as jnp
from jax import lax
from jax.experimental import pallas as pl
from jax.experimental.pallas import tpu as pltpu
from jax.experimental.pallas import tpu_sc as plsc

N = 6_400_000
B = 100_000
NC = 2
NS = 16
NW = NC * NS
C = N // NW
T = 4_000
NT = C // T
SLICE = 3_136
BP = NW * SLICE
L = 16
H = 16
IMAX = 2147483647

_MESH = plsc.VectorSubcoreMesh(core_axis_name="c", subcore_axis_name="s")
_PARAMS = pltpu.CompilerParams(needs_layout_passes=False)


def _wid():
    return lax.axis_index("s") * NC + lax.axis_index("c")


def _lane(vec, i, iota):
    return jnp.min(jnp.where(iota == i, vec, IMAX))


def _k1_body(x_hbm, b_hbm, ps_hbm, rng_hbm, acc, bb0, bb1, vb0, vb1, bnd,
             rngbuf, bs0, bs1, vs0, vs1, bndsem):
    w = _wid()
    bbs, vbs = (bb0, bb1), (vb0, vb1)
    bsem, vsem = (bs0, bs1), (vs0, vs1)

    def base(t):
        return pl.multiple_of(w * C + t * T, 8)

    def issue(t, p):
        pltpu.async_copy(b_hbm.at[pl.ds(base(t), T)], bbs[p].at[pl.ds(H, T)],
                         bsem[p])
        pltpu.async_copy(x_hbm.at[pl.ds(base(t), T)], vbs[p], vsem[p])

    first_at = pl.multiple_of(w * C, 8)
    last_at = pl.multiple_of(w * C + C - L, 8)
    pltpu.async_copy(b_hbm.at[pl.ds(first_at, L)], bnd.at[pl.ds(0, L)], bndsem)
    pltpu.async_copy(b_hbm.at[pl.ds(last_at, L)], bnd.at[pl.ds(L, L)], bndsem)
    issue(0, 0)

    iota = lax.iota(jnp.int32, L)
    idx_r = jnp.maximum(iota - 1, 0)
    last = iota == (L - 1)
    first = iota == 0

    pltpu.make_async_copy(b_hbm.at[pl.ds(first_at, L)], bnd.at[pl.ds(0, L)],
                          bndsem).wait()
    pltpu.make_async_copy(b_hbm.at[pl.ds(last_at, L)], bnd.at[pl.ds(L, L)],
                          bndsem).wait()
    blk_lo = _lane(bnd[pl.ds(0, L)], 0, iota) // SLICE
    blk_hi = _lane(bnd[pl.ds(L, L)], L - 1, iota) // SLICE

    def zblk(j, _):
        off0 = pl.multiple_of(j * SLICE, 8)

        @plsc.parallel_loop(0, SLICE // L, unroll=8)
        def zero(i):
            acc[pl.ds(off0 + i * L, L)] = jnp.zeros((L,), jnp.float32)

        return 0

    lax.fori_loop(blk_lo, blk_hi + 1, zblk, 0)

    def compute(bb, vb):
        @plsc.parallel_loop(0, T // L, unroll=4)
        def vreg(k):
            off = H + k * L
            b = bb[pl.ds(off, L)]
            v = vb[pl.ds(k * L, L)]
            s = plsc.cumsum(v)
            b_next = bb[pl.ds(off + 1, L)]
            ei = (b != b_next).astype(jnp.int32)
            is_end = (ei != 0) | last
            is_start = (jnp.take_along_axis(ei, idx_r, axis=0) != 0) | first
            plsc.addupdate_scatter(acc, [b], s, mask=is_end)
            plsc.addupdate_scatter(acc, [b], v - s, mask=is_start)

    def outer(to, _):
        for p in (0, 1):
            t = 2 * to + p

            @pl.when(t + 1 < NT)
            def _():
                issue(t + 1, 1 - p)

            pltpu.make_async_copy(b_hbm.at[pl.ds(base(t), T)],
                                  bbs[p].at[pl.ds(H, T)], bsem[p]).wait()
            pltpu.make_async_copy(x_hbm.at[pl.ds(base(t), T)], vbs[p],
                                  vsem[p]).wait()
            compute(bbs[p], vbs[p])
        return 0

    lax.fori_loop(0, NT // 2, outer, 0)

    def wblk(j, _):
        off0 = pl.multiple_of(j * SLICE, 8)
        pltpu.sync_copy(
            acc.at[pl.ds(off0, SLICE)],
            ps_hbm.at[pl.ds(pl.multiple_of(w * BP + j * SLICE, 8), SLICE)])
        return 0

    lax.fori_loop(blk_lo, blk_hi + 1, wblk, 0)

    rngbuf[pl.ds(0, L)] = jnp.where(iota == 0, blk_lo,
                                    jnp.where(iota == 1, blk_hi, 0))
    pltpu.sync_copy(rngbuf, rng_hbm.at[pl.ds(pl.multiple_of(w * L, 8), L)])


def _k3_body(x_hbm, b_hbm, ps_hbm, tc_hbm, na_hbm, rng_hbm, out_hbm, lt, bb0,
             bb1, vb0, vb1, ob0, ob1, bnd, tbuf, rngb, bs0, bs1, vs0, vs1, os0,
             os1, bndsem):
    w = _wid()
    bbs, vbs, obs = (bb0, bb1), (vb0, vb1), (ob0, ob1)
    bsem, vsem, osem = (bs0, bs1), (vs0, vs1), (os0, os1)

    def base(t):
        return pl.multiple_of(w * C + t * T, 8)

    def issue(t, p):
        pltpu.async_copy(b_hbm.at[pl.ds(base(t), T)], bbs[p], bsem[p])
        pltpu.async_copy(x_hbm.at[pl.ds(base(t), T)], vbs[p], vsem[p])

    first_at = pl.multiple_of(w * C, 8)
    last_at = pl.multiple_of(w * C + C - L, 8)
    pltpu.async_copy(b_hbm.at[pl.ds(first_at, L)], bnd.at[pl.ds(0, L)], bndsem)
    pltpu.async_copy(b_hbm.at[pl.ds(last_at, L)], bnd.at[pl.ds(L, L)], bndsem)
    issue(0, 0)

    iota = lax.iota(jnp.int32, L)
    pltpu.make_async_copy(b_hbm.at[pl.ds(first_at, L)], bnd.at[pl.ds(0, L)],
                          bndsem).wait()
    pltpu.make_async_copy(b_hbm.at[pl.ds(last_at, L)], bnd.at[pl.ds(L, L)],
                          bndsem).wait()
    blk_lo = _lane(bnd[pl.ds(0, L)], 0, iota) // SLICE
    blk_hi = _lane(bnd[pl.ds(L, L)], L - 1, iota) // SLICE

    pltpu.sync_copy(rng_hbm, rngb)

    def blkinit(j, _):
        off0 = pl.multiple_of(j * SLICE, 8)
        pltpu.sync_copy(tc_hbm.at[pl.ds(off0, SLICE)], lt.at[pl.ds(off0, SLICE)])

        def row(v, __):
            rec = rngb[pl.ds(pl.multiple_of(v * L, 8), L)]
            lo_v = _lane(rec, 0, iota)
            hi_v = _lane(rec, 1, iota)

            @pl.when((lo_v <= j) & (j <= hi_v))
            def _():
                pltpu.sync_copy(
                    ps_hbm.at[pl.ds(pl.multiple_of(v * BP + j * SLICE, 8),
                                    SLICE)], tbuf)

                @plsc.parallel_loop(0, SLICE // L, unroll=4)
                def sub(k):
                    sl2 = pl.ds(off0 + k * L, L)
                    lt[sl2] = lt[sl2] - tbuf[pl.ds(k * L, L)]

            return 0

        lax.fori_loop(0, NW, row, 0)
        pltpu.sync_copy(na_hbm.at[pl.ds(off0, SLICE)], tbuf)

        @plsc.parallel_loop(0, SLICE // L, unroll=4)
        def dv(k):
            sl2 = pl.ds(off0 + k * L, L)
            lt[sl2] = lt[sl2] / tbuf[pl.ds(k * L, L)]

        return 0

    lax.fori_loop(blk_lo, blk_hi + 1, blkinit, 0)

    def outer(to, _):
        for p in (0, 1):
            t = 2 * to + p

            @pl.when(t + 1 < NT)
            def _():
                issue(t + 1, 1 - p)

            pltpu.make_async_copy(b_hbm.at[pl.ds(base(t), T)], bbs[p],
                                  bsem[p]).wait()
            pltpu.make_async_copy(x_hbm.at[pl.ds(base(t), T)], vbs[p],
                                  vsem[p]).wait()

            @pl.when(t >= 2)
            def _():
                pltpu.make_async_copy(obs[p], out_hbm.at[pl.ds(base(t - 2), T)],
                                      osem[p]).wait()

            bb, vb, ob = bbs[p], vbs[p], obs[p]

            @plsc.parallel_loop(0, T // L, unroll=4)
            def vreg(k):
                sl = pl.ds(k * L, L)
                b = bb[sl]
                v = vb[sl]
                g = plsc.load_gather(lt, [b])
                ob[sl] = v + g

            pltpu.async_copy(obs[p], out_hbm.at[pl.ds(base(t), T)], osem[p])
        return 0

    lax.fori_loop(0, NT // 2, outer, 0)
    pltpu.make_async_copy(ob0, out_hbm.at[pl.ds(base(NT - 2), T)], os0).wait()
    pltpu.make_async_copy(ob1, out_hbm.at[pl.ds(base(NT - 1), T)], os1).wait()


_k1 = functools.partial(
    pl.kernel,
    out_type=(jax.ShapeDtypeStruct((NW * BP,), jnp.float32),
              jax.ShapeDtypeStruct((NW * L,), jnp.int32)),
    mesh=_MESH,
    compiler_params=_PARAMS,
    scratch_types=[
        pltpu.VMEM((BP,), jnp.float32),
        pltpu.VMEM((T + 2 * H,), jnp.int32),
        pltpu.VMEM((T + 2 * H,), jnp.int32),
        pltpu.VMEM((T,), jnp.float32),
        pltpu.VMEM((T,), jnp.float32),
        pltpu.VMEM((2 * L,), jnp.int32),
        pltpu.VMEM((L,), jnp.int32),
        pltpu.SemaphoreType.DMA,
        pltpu.SemaphoreType.DMA,
        pltpu.SemaphoreType.DMA,
        pltpu.SemaphoreType.DMA,
        pltpu.SemaphoreType.DMA,
    ],
)(_k1_body)

_k3 = functools.partial(
    pl.kernel,
    out_type=jax.ShapeDtypeStruct((N,), jnp.float32),
    mesh=_MESH,
    compiler_params=_PARAMS,
    scratch_types=[
        pltpu.VMEM((BP,), jnp.float32),
        pltpu.VMEM((T,), jnp.int32),
        pltpu.VMEM((T,), jnp.int32),
        pltpu.VMEM((T,), jnp.float32),
        pltpu.VMEM((T,), jnp.float32),
        pltpu.VMEM((T,), jnp.float32),
        pltpu.VMEM((T,), jnp.float32),
        pltpu.VMEM((2 * L,), jnp.int32),
        pltpu.VMEM((SLICE,), jnp.float32),
        pltpu.VMEM((NW * L,), jnp.int32),
        pltpu.SemaphoreType.DMA,
        pltpu.SemaphoreType.DMA,
        pltpu.SemaphoreType.DMA,
        pltpu.SemaphoreType.DMA,
        pltpu.SemaphoreType.DMA,
        pltpu.SemaphoreType.DMA,
        pltpu.SemaphoreType.DMA,
    ],
)(_k3_body)


def kernel(node_outputs, batch, total_charge, n_atoms):
    x = node_outputs.reshape(N)
    tc = jnp.concatenate([total_charge, jnp.zeros((BP - B,), jnp.float32)])
    na = jnp.concatenate([n_atoms, jnp.ones((BP - B,), jnp.float32)])
    ps, rng = _k1(x, batch)
    return _k3(x, batch, ps, tc, na, rng)

# --- scband reference (transcript-rebuilt; emitter-appended) ---
"""Pipeline reference for scband-corrected-partial-charges-26534307955283 (READ-ONLY COPY).

The authoritative reference and input builder live on the scoring server;
editing this copy changes nothing except your own understanding.
"""

import jax, jax.numpy as jnp
import numpy as np

N = 6400000
B = 100000

def setup_inputs(seed: int = 0) -> dict:
    key = jax.random.key(seed)
    k1, k2, k3 = jax.random.split(key, 3)
    node_outputs = jax.random.normal(k1, (N, 1), dtype=jnp.float32)
    batch = jnp.sort(jax.random.randint(k2, (N,), 0, B)).astype(jnp.int32)
    total_charge = jax.random.normal(k3, (B,), dtype=jnp.float32)
    # n_atoms must be the true per-graph atom count for the physics to be consistent;
    # clamp to >=1 to avoid division by zero for (rare) empty segments.
    n_atoms = jnp.maximum(jnp.bincount(batch, length=B), 1).astype(jnp.float32)
    return {"node_outputs": node_outputs, "batch": batch, "total_charge": total_charge, "n_atoms": n_atoms}

def reference(node_outputs, batch, total_charge, n_atoms):
    # partial_charges = node_outputs.squeeze()
    partial_charges = jnp.squeeze(node_outputs, axis=-1)
    # segment_sum(partial_charges, batch, num_segments=B)
    per_graph_sum = jax.ops.segment_sum(partial_charges, batch, num_segments=n_atoms.shape[0])
    leftover_charge = (total_charge - per_graph_sum) / n_atoms
    # leftover_charge.index_select(0, batch)
    corrected = partial_charges + jnp.take(leftover_charge, batch, axis=0)
    return corrected

if __name__ == "__main__":
    import jax
    _d = setup_inputs()
    print(jax.jit(kernel)(*tuple(_d.values())))

</pallas_src>

<mosaic_0001>
#map = affine_map<(d0, d1) -> (0)>
module attributes {stable_mosaic.version = 14 : i64} {
  func.func @_k1_body(%arg0: i32, %arg1: i32, %arg2: memref<6400000xf32, #tpu.memory_space<hbm>>, %arg3: memref<6400000xi32, #tpu.memory_space<hbm>>, %arg4: memref<3211264xf32, #tpu.memory_space<hbm>>, %arg5: memref<512xi32, #tpu.memory_space<hbm>>, %arg6: memref<100352xf32, #tpu.memory_space<vmem>>, %arg7: memref<4032xi32, #tpu.memory_space<vmem>>, %arg8: memref<4032xi32, #tpu.memory_space<vmem>>, %arg9: memref<4000xf32, #tpu.memory_space<vmem>>, %arg10: memref<4000xf32, #tpu.memory_space<vmem>>, %arg11: memref<32xi32, #tpu.memory_space<vmem>>, %arg12: memref<16xi32, #tpu.memory_space<vmem>>, %arg13: memref<!tpu.dma_semaphore, #tpu.memory_space<semaphore_mem>>, %arg14: memref<!tpu.dma_semaphore, #tpu.memory_space<semaphore_mem>>, %arg15: memref<!tpu.dma_semaphore, #tpu.memory_space<semaphore_mem>>, %arg16: memref<!tpu.dma_semaphore, #tpu.memory_space<semaphore_mem>>, %arg17: memref<!tpu.dma_semaphore, #tpu.memory_space<semaphore_mem>>) attributes {dimension_semantics = [#tpu.dimension_semantics<core_parallel>, #tpu.dimension_semantics<subcore_parallel>], iteration_bounds = array<i64: 2, 16>, scalar_prefetch = 0 : i64, scratch_operands = 12 : i64, tpu.core_type = #tpu.core_type<sc_vector_subcore>, window_params = [{transform_indices = #map}, {transform_indices = #map}, {transform_indices = #map}, {transform_indices = #map}]} {
    %mul3A = arith.constant 2 : i32
    %mul3A_0 = arith.muli %arg1, %mul3A : i32
    %add3A = arith.addi %mul3A_0, %arg0 : i32
    %mul3A_1 = arith.constant 200000 : i32
    %mul3A_2 = arith.muli %add3A, %mul3A_1 : i32
    %multiple_of3A = tpu.assume_multiple %mul3A_2, 8 : i32
    %mul3A_3 = arith.constant 200000 : i32
    %mul3A_4 = arith.muli %add3A, %mul3A_3 : i32
    %add3A_5 = arith.constant 200000 : i32
    %add3A_6 = arith.addi %mul3A_4, %add3A_5 : i32
    %sub3A = arith.constant 16 : i32
    %sub3A_7 = arith.subi %add3A_6, %sub3A : i32
    %multiple_of3A_8 = tpu.assume_multiple %sub3A_7, 8 : i32
    %dma_start3A = arith.constant 0 : i32
    %dma_start3A_9 = tpu.memref_slice %arg11[%dma_start3A] : memref<32xi32, #tpu.memory_space<vmem>> -> memref<16xi32, #tpu.memory_space<vmem>>
    %dma_start3A_10 = tpu.memref_slice %arg3[%multiple_of3A] : memref<6400000xi32, #tpu.memory_space<hbm>> -> memref<16xi32, #tpu.memory_space<hbm>>
    %dma_start3A_11 = arith.constant 0 : i32
    %dma_start3A_12 = tpu.memref_slice %arg11[%dma_start3A_11] : memref<32xi32, #tpu.memory_space<vmem>> -> memref<16xi32, #tpu.memory_space<vmem>>
    %dma_start3A_13 = tpu.memref_slice %arg3[%multiple_of3A] : memref<6400000xi32, #tpu.memory_space<hbm>> -> memref<16xi32, #tpu.memory_space<hbm>>
    tpu.enqueue_dma source(%dma_start3A_13 : memref<16xi32, #tpu.memory_space<hbm>>) target(%dma_start3A_12 : memref<16xi32, #tpu.memory_space<vmem>>) target_semaphore(%arg17 : memref<!tpu.dma_semaphore, #tpu.memory_space<semaphore_mem>>)
    %dma_start3A_14 = arith.constant 16 : i32
    %dma_start3A_15 = tpu.memref_slice %arg11[%dma_start3A_14] : memref<32xi32, #tpu.memory_space<vmem>> -> memref<16xi32, #tpu.memory_space<vmem>>
    %dma_start3A_16 = tpu.memref_slice %arg3[%multiple_of3A_8] : memref<6400000xi32, #tpu.memory_space<hbm>> -> memref<16xi32, #tpu.memory_space<hbm>>
    %dma_start3A_17 = arith.constant 16 : i32
    %dma_start3A_18 = tpu.memref_slice %arg11[%dma_start3A_17] : memref<32xi32, #tpu.memory_space<vmem>> -> memref<16xi32, #tpu.memory_space<vmem>>
    %dma_start3A_19 = tpu.memref_slice %arg3[%multiple_of3A_8] : memref<6400000xi32, #tpu.memory_space<hbm>> -> memref<16xi32, #tpu.memory_space<hbm>>
    tpu.enqueue_dma source(%dma_start3A_19 : memref<16xi32, #tpu.memory_space<hbm>>) target(%dma_start3A_18 : memref<16xi32, #tpu.memory_space<vmem>>) target_semaphore(%arg17 : memref<!tpu.dma_semaphore, #tpu.memory_space<semaphore_mem>>)
    %mul3A_20 = arith.constant 200000 : i32
    %mul3A_21 = arith.muli %add3A, %mul3A_20 : i32
    %add3A_22 = arith.constant 0 : i32
    %add3A_23 = arith.addi %mul3A_21, %add3A_22 : i32
    %multiple_of3A_24 = tpu.assume_multiple %add3A_23, 8 : i32
    %dma_start3A_25 = arith.constant 16 : i32
    %dma_start3A_26 = tpu.memref_slice %arg7[%dma_start3A_25] : memref<4032xi32, #tpu.memory_space<vmem>> -> memref<4000xi32, #tpu.memory_space<vmem>>
    %dma_start3A_27 = tpu.memref_slice %arg3[%multiple_of3A_24] : memref<6400000xi32, #tpu.memory_space<hbm>> -> memref<4000xi32, #tpu.memory_space<hbm>>
    %dma_start3A_28 = arith.constant 16 : i32
    %dma_start3A_29 = tpu.memref_slice %arg7[%dma_start3A_28] : memref<4032xi32, #tpu.memory_space<vmem>> -> memref<4000xi32, #tpu.memory_space<vmem>>
    %dma_start3A_30 = tpu.memref_slice %arg3[%multiple_of3A_24] : memref<6400000xi32, #tpu.memory_space<hbm>> -> memref<4000xi32, #tpu.memory_space<hbm>>
    tpu.enqueue_dma source(%dma_start3A_30 : memref<4000xi32, #tpu.memory_space<hbm>>) target(%dma_start3A_29 : memref<4000xi32, #tpu.memory_space<vmem>>) target_semaphore(%arg13 : memref<!tpu.dma_semaphore, #tpu.memory_space<semaphore_mem>>)
    %mul3A_31 = arith.constant 200000 : i32
    %mul3A_32 = arith.muli %add3A, %mul3A_31 : i32
    %add3A_33 = arith.constant 0 : i32
    %add3A_34 = arith.addi %mul3A_32, %add3A_33 : i32
    %multiple_of3A_35 = tpu.assume_multiple %add3A_34, 8 : i32
    %dma_start3A_36 = tpu.memref_slice %arg2[%multiple_of3A_35] : memref<6400000xf32, #tpu.memory_space<hbm>> -> memref<4000xf32, #tpu.memory_space<hbm>>
    %dma_start3A_37 = tpu.memref_slice %arg2[%multiple_of3A_35] : memref<6400000xf32, #tpu.memory_space<hbm>> -> memref<4000xf32, #tpu.memory_space<hbm>>
    tpu.enqueue_dma source(%dma_start3A_37 : memref<4000xf32, #tpu.memory_space<hbm>>) target(%arg9 : memref<4000xf32, #tpu.memory_space<vmem>>) target_semaphore(%arg15 : memref<!tpu.dma_semaphore, #tpu.memory_space<semaphore_mem>>)
    %iota3A = tpu.iota {dimensions = array<i32: 0>} : vector<16xi32>
    %sub3A_38 = arith.constant 1 : i32
    %sub3A_39 = vector.broadcast %sub3A_38 : i32 to vector<16xi32>
    %sub3A_40 = arith.subi %iota3A, %sub3A_39 : vector<16xi32>
    %max3A = arith.constant 0 : i32
    %max3A_41 = vector.broadcast %max3A : i32 to vector<16xi32>
    %max3A_42 = arith.maxsi %sub3A_40, %max3A_41 : vector<16xi32>
    %eq3A = arith.constant 15 : i32
    %eq3A_43 = vector.broadcast %eq3A : i32 to vector<16xi32>
    %eq3A_44 = arith.cmpi eq, %iota3A, %eq3A_43 : vector<16xi32>
    %eq3A_45 = arith.constant 0 : i32
    %eq3A_46 = vector.broadcast %eq3A_45 : i32 to vector<16xi32>
    %eq3A_47 = arith.cmpi eq, %iota3A, %eq3A_46 : vector<16xi32>
    %dma_wait3A = arith.constant 0 : i32
    %dma_wait3A_48 = tpu.memref_slice %arg11[%dma_wait3A] : memref<32xi32, #tpu.memory_space<vmem>> -> memref<16xi32, #tpu.memory_space<vmem>>
    %dma_wait3A_49 = tpu.memref_slice %arg3[%multiple_of3A] : memref<6400000xi32, #tpu.memory_space<hbm>> -> memref<16xi32, #tpu.memory_space<hbm>>
    %dma_wait3A_50 = arith.constant 0 : i32
    %dma_wait3A_51 = tpu.memref_slice %arg11[%dma_wait3A_50] : memref<32xi32, #tpu.memory_space<vmem>> -> memref<16xi32, #tpu.memory_space<vmem>>
    %dma_wait3A_52 = tpu.memref_slice %arg3[%multiple_of3A] : memref<6400000xi32, #tpu.memory_space<hbm>> -> memref<16xi32, #tpu.memory_space<hbm>>
    tpu.wait_dma2 semaphore(%arg17 : memref<!tpu.dma_semaphore, #tpu.memory_space<semaphore_mem>>) src(%dma_wait3A_52 : memref<16xi32, #tpu.memory_space<hbm>>) dst(%dma_wait3A_51 : memref<16xi32, #tpu.memory_space<vmem>>)
    %dma_wait3A_53 = arith.constant 16 : i32
    %dma_wait3A_54 = tpu.memref_slice %arg11[%dma_wait3A_53] : memref<32xi32, #tpu.memory_space<vmem>> -> memref<16xi32, #tpu.memory_space<vmem>>
    %dma_wait3A_55 = tpu.memref_slice %arg3[%multiple_of3A_8] : memref<6400000xi32, #tpu.memory_space<hbm>> -> memref<16xi32, #tpu.memory_space<hbm>>
    %dma_wait3A_56 = arith.constant 16 : i32
    %dma_wait3A_57 = tpu.memref_slice %arg11[%dma_wait3A_56] : memref<32xi32, #tpu.memory_space<vmem>> -> memref<16xi32, #tpu.memory_space<vmem>>
    %dma_wait3A_58 = tpu.memref_slice %arg3[%multiple_of3A_8] : memref<6400000xi32, #tpu.memory_space<hbm>> -> memref<16xi32, #tpu.memory_space<hbm>>
    tpu.wait_dma2 semaphore(%arg17 : memref<!tpu.dma_semaphore, #tpu.memory_space<semaphore_mem>>) src(%dma_wait3A_58 : memref<16xi32, #tpu.memory_space<hbm>>) dst(%dma_wait3A_57 : memref<16xi32, #tpu.memory_space<vmem>>)
    %get3A = arith.constant 0 : index
    %get3A_59 = tpu.vector_load %arg11[%get3A] {strides = array<i32>} : memref<32xi32, #tpu.memory_space<vmem>>, vector<16xi32>,
    %eq3A_60 = arith.constant 0 : i32
    %eq3A_61 = vector.broadcast %eq3A_60 : i32 to vector<16xi32>
    %eq3A_62 = arith.cmpi eq, %iota3A, %eq3A_61 : vector<16xi32>
    %jit3A = arith.constant 2147483647 : i32
    %broadcast_in_dim3A = vector.broadcast %jit3A : i32 to vector<16xi32>
    %select_n3A = arith.select %eq3A_62, %get3A_59, %broadcast_in_dim3A : vector<16xi1>, vector<16xi32>
    %reduce_min3A = arith.constant true
    %reduce_min3A_63 = vector.broadcast %reduce_min3A : i1 to vector<16xi1>
    %reduce_min3A_64 = arith.constant -2147483648 : i32
    %reduce_min3A_65 = vector.broadcast %reduce_min3A_64 : i32 to vector<16xi32>
    %reduce_min3A_66 = arith.xori %select_n3A, %reduce_min3A_65 : vector<16xi32>
    %reduce_min3A_67 = tpu.scan <min>, %reduce_min3A_66 masked %reduce_min3A_63 : vector<16xi32>, vector<16xi1> -> vector<16xi32>
    %reduce_min3A_68 = arith.xori %reduce_min3A_67, %reduce_min3A_65 : vector<16xi32>
    %reduce_min3A_69 = vector.extract %reduce_min3A_68[15] : i32 from vector<16xi32>
    %jit3A_70 = arith.constant 3136 : i32
    %div3A = arith.divsi %reduce_min3A_69, %jit3A_70 : i32
    %sign3A = arith.constant 0 : i32
    %sign3A_71 = arith.cmpi sgt, %reduce_min3A_69, %sign3A : i32
    %sign3A_72 = arith.extui %sign3A_71 : i1 to i32
    %sign3A_73 = arith.constant 0 : i32
    %sign3A_74 = arith.cmpi slt, %reduce_min3A_69, %sign3A_73 : i32
    %sign3A_75 = arith.extui %sign3A_74 : i1 to i32
    %sign3A_76 = arith.subi %sign3A_72, %sign3A_75 : i32
    %sign3A_77 = arith.constant 0 : i32
    %sign3A_78 = arith.cmpi sgt, %jit3A_70, %sign3A_77 : i32
    %sign3A_79 = arith.extui %sign3A_78 : i1 to i32
    %sign3A_80 = arith.constant 0 : i32
    %sign3A_81 = arith.cmpi slt, %jit3A_70, %sign3A_80 : i32
    %sign3A_82 = arith.extui %sign3A_81 : i1 to i32
    %sign3A_83 = arith.subi %sign3A_79, %sign3A_82 : i32
    %ne3A = arith.cmpi ne, %sign3A_76, %sign3A_83 : i32
    %rem3A = arith.remsi %reduce_min3A_69, %jit3A_70 : i32
    %ne3A_84 = arith.constant 0 : i32
    %ne3A_85 = arith.cmpi ne, %rem3A, %ne3A_84 : i32
    %and3A = arith.andi %ne3A, %ne3A_85 : i1
    %sub3A_86 = arith.constant 1 : i32
    %sub3A_87 = arith.subi %div3A, %sub3A_86 : i32
    %select_n3A_88 = arith.select %and3A, %sub3A_87, %div3A : i32
    %get3A_89 = arith.constant 16 : index
    %get3A_90 = tpu.vector_load %arg11[%get3A_89] {strides = array<i32>} : memref<32xi32, #tpu.memory_space<vmem>>, vector<16xi32>,
    %eq3A_91 = arith.constant 15 : i32
    %eq3A_92 = vector.broadcast %eq3A_91 : i32 to vector<16xi32>
    %eq3A_93 = arith.cmpi eq, %iota3A, %eq3A_92 : vector<16xi32>
    %jit3A_94 = arith.constant 2147483647 : i32
    %broadcast_in_dim3A_95 = vector.broadcast %jit3A_94 : i32 to vector<16xi32>
    %select_n3A_96 = arith.select %eq3A_93, %get3A_90, %broadcast_in_dim3A_95 : vector<16xi1>, vector<16xi32>
    %reduce_min3A_97 = arith.constant true
    %reduce_min3A_98 = vector.broadcast %reduce_min3A_97 : i1 to vector<16xi1>
    %reduce_min3A_99 = arith.constant -2147483648 : i32
    %reduce_min3A_100 = vector.broadcast %reduce_min3A_99 : i32 to vector<16xi32>
    %reduce_min3A_101 = arith.xori %select_n3A_96, %reduce_min3A_100 : vector<16xi32>
    %reduce_min3A_102 = tpu.scan <min>, %reduce_min3A_101 masked %reduce_min3A_98 : vector<16xi32>, vector<16xi1> -> vector<16xi32>
    %reduce_min3A_103 = arith.xori %reduce_min3A_102, %reduce_min3A_100 : vector<16xi32>
    %reduce_min3A_104 = vector.extract %reduce_min3A_103[15] : i32 from vector<16xi32>
    %jit3A_105 = arith.constant 3136 : i32
    %div3A_106 = arith.divsi %reduce_min3A_104, %jit3A_105 : i32
    %sign3A_107 = arith.constant 0 : i32
    %sign3A_108 = arith.cmpi sgt, %reduce_min3A_104, %sign3A_107 : i32
    %sign3A_109 = arith.extui %sign3A_108 : i1 to i32
    %sign3A_110 = arith.constant 0 : i32
    %sign3A_111 = arith.cmpi slt, %reduce_min3A_104, %sign3A_110 : i32
    %sign3A_112 = arith.extui %sign3A_111 : i1 to i32
    %sign3A_113 = arith.subi %sign3A_109, %sign3A_112 : i32
    %sign3A_114 = arith.constant 0 : i32
    %sign3A_115 = arith.cmpi sgt, %jit3A_105, %sign3A_114 : i32
    %sign3A_116 = arith.extui %sign3A_115 : i1 to i32
    %sign3A_117 = arith.constant 0 : i32
    %sign3A_118 = arith.cmpi slt, %jit3A_105, %sign3A_117 : i32
    %sign3A_119 = arith.extui %sign3A_118 : i1 to i32
    %sign3A_120 = arith.subi %sign3A_116, %sign3A_119 : i32
    %ne3A_121 = arith.cmpi ne, %sign3A_113, %sign3A_120 : i32
    %rem3A_122 = arith.remsi %reduce_min3A_104, %jit3A_105 : i32
    %ne3A_123 = arith.constant 0 : i32
    %ne3A_124 = arith.cmpi ne, %rem3A_122, %ne3A_123 : i32
    %and3A_125 = arith.andi %ne3A_121, %ne3A_124 : i1
    %sub3A_126 = arith.constant 1 : i32
    %sub3A_127 = arith.subi %div3A_106, %sub3A_126 : i32
    %select_n3A_128 = arith.select %and3A_125, %sub3A_127, %div3A_106 : i32
    %add3A_129 = arith.constant 1 : i32
    %add3A_130 = arith.addi %select_n3A_128, %add3A_129 : i32
    %while3A = arith.constant 0 : i32
    %while3A_131 = arith.subi %add3A_130, %select_n3A_88 : i32
    %while3A_132 = arith.addi %select_n3A_88, %while3A_131 : i32
    %while3A_133 = arith.constant 1 : i32
    %while3A_134 = arith.divsi %while3A_131, %while3A_133 : i32
    %while3A_135 = arith.muli %while3A_134, %while3A_133 : i32
    %while3A_136 = arith.addi %select_n3A_88, %while3A_135 : i32
    %while3A_137 = arith.constant 1 : i32
    %while3A_138 = scf.for %while3A_176 = %select_n3A_88 to %while3A_136 step %while3A_137 iter_args(%while3A_177 = %while3A) -> (i32)  : i32 {
      %mul3A_178 = arith.constant 3136 : i32
      %mul3A_179 = arith.muli %while3A_176, %mul3A_178 : i32
      %multiple_of3A_180 = tpu.assume_multiple %mul3A_179, 8 : i32
      %parallel_loop3A = arith.constant 0 : i32
      %parallel_loop3A_181 = arith.constant 196 : i32
      %parallel_loop3A_182 = arith.constant 1 : i32
      scf.for %parallel_loop3A_184 = %parallel_loop3A to %parallel_loop3A_181 step %parallel_loop3A_182  : i32 {
        %parallel_loop3A_185 = arith.constant 0.000000e+00 : f32
        %parallel_loop3A_186 = vector.broadcast %parallel_loop3A_185 : f32 to vector<16xf32>
        %parallel_loop3A_187 = arith.constant 16 : i32
        %parallel_loop3A_188 = arith.muli %parallel_loop3A_184, %parallel_loop3A_187 : i32
        %parallel_loop3A_189 = arith.addi %multiple_of3A_180, %parallel_loop3A_188 : i32
        %parallel_loop3A_190 = arith.index_cast %parallel_loop3A_189 : i32 to index
        %parallel_loop3A_191 = tpu.vector_load %arg6[%parallel_loop3A_190] {strides = array<i32>} : memref<100352xf32, #tpu.memory_space<vmem>>, vector<16xf32>,
        tpu.vector_store %arg6[%parallel_loop3A_190], %parallel_loop3A_186 {strides = array<i32>} : memref<100352xf32, #tpu.memory_space<vmem>>, vector<16xf32>,
      } {sc.loop_unroll_factor = 8 : i64, sc.parallel_access}
      %while3A_183 = arith.constant 0 : i32
      scf.yield %while3A_183 : i32
    }
    %while3A_139 = arith.constant 1 : i32
    %while3A_140 = scf.for %while3A_176 = %while3A_136 to %while3A_132 step %while3A_139 iter_args(%while3A_177 = %while3A_138) -> (i32)  : i32 {
      %mul3A_178 = arith.constant 3136 : i32
      %mul3A_179 = arith.muli %while3A_176, %mul3A_178 : i32
      %multiple_of3A_180 = tpu.assume_multiple %mul3A_179, 8 : i32
      %parallel_loop3A = arith.constant 0 : i32
      %parallel_loop3A_181 = arith.constant 196 : i32
      %parallel_loop3A_182 = arith.constant 1 : i32
      scf.for %parallel_loop3A_184 = %parallel_loop3A to %parallel_loop3A_181 step %parallel_loop3A_182  : i32 {
        %parallel_loop3A_185 = arith.constant 0.000000e+00 : f32
        %parallel_loop3A_186 = vector.broadcast %parallel_loop3A_185 : f32 to vector<16xf32>
        %parallel_loop3A_187 = arith.constant 16 : i32
        %parallel_loop3A_188 = arith.muli %parallel_loop3A_184, %parallel_loop3A_187 : i32
        %parallel_loop3A_189 = arith.addi %multiple_of3A_180, %parallel_loop3A_188 : i32
        %parallel_loop3A_190 = arith.index_cast %parallel_loop3A_189 : i32 to index
        %parallel_loop3A_191 = tpu.vector_load %arg6[%parallel_loop3A_190] {strides = array<i32>} : memref<100352xf32, #tpu.memory_space<vmem>>, vector<16xf32>,
        tpu.vector_store %arg6[%parallel_loop3A_190], %parallel_loop3A_186 {strides = array<i32>} : memref<100352xf32, #tpu.memory_space<vmem>>, vector<16xf32>,
      } {sc.loop_unroll_factor = 8 : i64, sc.parallel_access}
      %while3A_183 = arith.constant 0 : i32
      scf.yield %while3A_183 : i32
    }
    %scan3A = arith.constant 0 : i32
    %scan3A_141 = arith.constant 0 : i32
    %scan3A_142 = arith.constant 25 : i32
    %scan3A_143 = arith.addi %scan3A_141, %scan3A_142 : i32
    %scan3A_144 = arith.constant 1 : i32
    %scan3A_145 = scf.for %scan3A_176 = %scan3A_141 to %scan3A_143 step %scan3A_144 iter_args(%scan3A_177 = %scan3A) -> (i32)  : i32 {
      %mul3A_178 = arith.constant 2 : i32
      %mul3A_179 = arith.muli %mul3A_178, %scan3A_176 : i32
      %add3A_180 = arith.constant 0 : i32
      %add3A_181 = arith.addi %mul3A_179, %add3A_180 : i32
      %add3A_182 = arith.constant 1 : i32
      %add3A_183 = arith.addi %add3A_181, %add3A_182 : i32
      %lt3A = arith.constant 50 : i32
      %lt3A_184 = arith.cmpi slt, %add3A_183, %lt3A : i32
      %convert_element_type3A = arith.extui %lt3A_184 : i1 to i32
      %cond3A = arith.constant 0 : i32
      %cond3A_185 = arith.cmpi ne, %convert_element_type3A, %cond3A : i32
      scf.if %cond3A_185 {
        %add3A_243 = arith.constant 1 : i32
        %add3A_244 = arith.addi %add3A_181, %add3A_243 : i32
        %mul3A_245 = arith.constant 200000 : i32
        %mul3A_246 = arith.muli %add3A, %mul3A_245 : i32
        %mul3A_247 = arith.constant 4000 : i32
        %mul3A_248 = arith.muli %add3A_244, %mul3A_247 : i32
        %add3A_249 = arith.addi %mul3A_246, %mul3A_248 : i32
        %multiple_of3A_250 = tpu.assume_multiple %add3A_249, 8 : i32
        %dma_start3A_251 = arith.constant 16 : i32
        %dma_start3A_252 = tpu.memref_slice %arg8[%dma_start3A_251] : memref<4032xi32, #tpu.memory_space<vmem>> -> memref<4000xi32, #tpu.memory_space<vmem>>
        %dma_start3A_253 = tpu.memref_slice %arg3[%multiple_of3A_250] : memref<6400000xi32, #tpu.memory_space<hbm>> -> memref<4000xi32, #tpu.memory_space<hbm>>
        %dma_start3A_254 = arith.constant 16 : i32
        %dma_start3A_255 = tpu.memref_slice %arg8[%dma_start3A_254] : memref<4032xi32, #tpu.memory_space<vmem>> -> memref<4000xi32, #tpu.memory_space<vmem>>
        %dma_start3A_256 = tpu.memref_slice %arg3[%multiple_of3A_250] : memref<6400000xi32, #tpu.memory_space<hbm>> -> memref<4000xi32, #tpu.memory_space<hbm>>
        tpu.enqueue_dma source(%dma_start3A_256 : memref<4000xi32, #tpu.memory_space<hbm>>) target(%dma_start3A_255 : memref<4000xi32, #tpu.memory_space<vmem>>) target_semaphore(%arg14 : memref<!tpu.dma_semaphore, #tpu.memory_space<semaphore_mem>>)
        %mul3A_257 = arith.constant 200000 : i32
        %mul3A_258 = arith.muli %add3A, %mul3A_257 : i32
        %mul3A_259 = arith.constant 4000 : i32
        %mul3A_260 = arith.muli %add3A_244, %mul3A_259 : i32
        %add3A_261 = arith.addi %mul3A_258, %mul3A_260 : i32
        %multiple_of3A_262 = tpu.assume_multiple %add3A_261, 8 : i32
        %dma_start3A_263 = tpu.memref_slice %arg2[%multiple_of3A_262] : memref<6400000xf32, #tpu.memory_space<hbm>> -> memref<4000xf32, #tpu.memory_space<hbm>>
        %dma_start3A_264 = tpu.memref_slice %arg2[%multiple_of3A_262] : memref<6400000xf32, #tpu.memory_space<hbm>> -> memref<4000xf32, #tpu.memory_space<hbm>>
        tpu.enqueue_dma source(%dma_start3A_264 : memref<4000xf32, #tpu.memory_space<hbm>>) target(%arg10 : memref<4000xf32, #tpu.memory_space<vmem>>) target_semaphore(%arg16 : memref<!tpu.dma_semaphore, #tpu.memory_space<semaphore_mem>>)
      } else {
      }
      %mul3A_186 = arith.constant 200000 : i32
      %mul3A_187 = arith.muli %add3A, %mul3A_186 : i32
      %mul3A_188 = arith.constant 4000 : i32
      %mul3A_189 = arith.muli %add3A_181, %mul3A_188 : i32
      %add3A_190 = arith.addi %mul3A_187, %mul3A_189 : i32
      %multiple_of3A_191 = tpu.assume_multiple %add3A_190, 8 : i32
      %dma_wait3A_192 = arith.constant 16 : i32
      %dma_wait3A_193 = tpu.memref_slice %arg7[%dma_wait3A_192] : memref<4032xi32, #tpu.memory_space<vmem>> -> memref<4000xi32, #tpu.memory_space<vmem>>
      %dma_wait3A_194 = tpu.memref_slice %arg3[%multiple_of3A_191] : memref<6400000xi32, #tpu.memory_space<hbm>> -> memref<4000xi32, #tpu.memory_space<hbm>>
      %dma_wait3A_195 = arith.constant 16 : i32
      %dma_wait3A_196 = tpu.memref_slice %arg7[%dma_wait3A_195] : memref<4032xi32, #tpu.memory_space<vmem>> -> memref<4000xi32, #tpu.memory_space<vmem>>
      %dma_wait3A_197 = tpu.memref_slice %arg3[%multiple_of3A_191] : memref<6400000xi32, #tpu.memory_space<hbm>> -> memref<4000xi32, #tpu.memory_space<hbm>>
      tpu.wait_dma2 semaphore(%arg13 : memref<!tpu.dma_semaphore, #tpu.memory_space<semaphore_mem>>) src(%dma_wait3A_197 : memref<4000xi32, #tpu.memory_space<hbm>>) dst(%dma_wait3A_196 : memref<4000xi32, #tpu.memory_space<vmem>>)
      %mul3A_198 = arith.constant 200000 : i32
      %mul3A_199 = arith.muli %add3A, %mul3A_198 : i32
      %mul3A_200 = arith.constant 4000 : i32
      %mul3A_201 = arith.muli %add3A_181, %mul3A_200 : i32
      %add3A_202 = arith.addi %mul3A_199, %mul3A_201 : i32
      %multiple_of3A_203 = tpu.assume_multiple %add3A_202, 8 : i32
      %dma_wait3A_204 = tpu.memref_slice %arg2[%multiple_of3A_203] : memref<6400000xf32, #tpu.memory_space<hbm>> -> memref<4000xf32, #tpu.memory_space<hbm>>
      %dma_wait3A_205 = tpu.memref_slice %arg2[%multiple_of3A_203] : memref<6400000xf32, #tpu.memory_space<hbm>> -> memref<4000xf32, #tpu.memory_space<hbm>>
      tpu.wait_dma2 semaphore(%arg15 : memref<!tpu.dma_semaphore, #tpu.memory_space<semaphore_mem>>) src(%dma_wait3A_205 : memref<4000xf32, #tpu.memory_space<hbm>>) dst(%arg9 : memref<4000xf32, #tpu.memory_space<vmem>>)
      %parallel_loop3A = arith.constant 0 : i32
      %parallel_loop3A_206 = arith.constant 250 : i32
      %parallel_loop3A_207 = arith.constant 1 : i32
      scf.for %parallel_loop3A_243 = %parallel_loop3A to %parallel_loop3A_206 step %parallel_loop3A_207  : i32 {
        %parallel_loop3A_244 = arith.constant 16 : i32
        %parallel_loop3A_245 = arith.muli %parallel_loop3A_243, %parallel_loop3A_244 : i32
        %parallel_loop3A_246 = arith.constant 16 : i32
        %parallel_loop3A_247 = arith.addi %parallel_loop3A_246, %parallel_loop3A_245 : i32
        %parallel_loop3A_248 = arith.index_cast %parallel_loop3A_247 : i32 to index
        %parallel_loop3A_249 = tpu.vector_load %arg7[%parallel_loop3A_248] {strides = array<i32>} : memref<4032xi32, #tpu.memory_space<vmem>>, vector<16xi32>,
        %parallel_loop3A_250 = arith.constant 16 : i32
        %parallel_loop3A_251 = arith.muli %parallel_loop3A_243, %parallel_loop3A_250 : i32
        %parallel_loop3A_252 = arith.index_cast %parallel_loop3A_251 : i32 to index
        %parallel_loop3A_253 = tpu.vector_load %arg9[%parallel_loop3A_252] {strides = array<i32>} : memref<4000xf32, #tpu.memory_space<vmem>>, vector<16xf32>,
        %parallel_loop3A_254 = arith.constant true
        %parallel_loop3A_255 = vector.broadcast %parallel_loop3A_254 : i1 to vector<16xi1>
        %parallel_loop3A_256 = tpu.scan <sum>, %parallel_loop3A_253 masked %parallel_loop3A_255 : vector<16xf32>, vector<16xi1> -> vector<16xf32>
        %parallel_loop3A_257 = arith.constant 1 : i32
        %parallel_loop3A_258 = arith.addi %parallel_loop3A_247, %parallel_loop3A_257 : i32
        %parallel_loop3A_259 = arith.index_cast %parallel_loop3A_258 : i32 to index
        %parallel_loop3A_260 = tpu.vector_load %arg7[%parallel_loop3A_259] {strides = array<i32>} : memref<4032xi32, #tpu.memory_space<vmem>>, vector<16xi32>,
        %parallel_loop3A_261 = arith.cmpi ne, %parallel_loop3A_249, %parallel_loop3A_260 : vector<16xi32>
        %parallel_loop3A_262 = arith.extui %parallel_loop3A_261 : vector<16xi1> to vector<16xi32>
        %parallel_loop3A_263 = arith.constant 0 : i32
        %parallel_loop3A_264 = vector.broadcast %parallel_loop3A_263 : i32 to vector<16xi32>
        %parallel_loop3A_265 = arith.cmpi ne, %parallel_loop3A_262, %parallel_loop3A_264 : vector<16xi32>
        %parallel_loop3A_266 = arith.ori %parallel_loop3A_265, %eq3A_44 : vector<16xi1>
        %parallel_loop3A_267 = arith.constant 0 : i32
        %parallel_loop3A_268 = vector.broadcast %parallel_loop3A_267 : i32 to vector<16xi32>
        %parallel_loop3A_269 = arith.cmpi slt, %max3A_42, %parallel_loop3A_268 : vector<16xi32>
        %parallel_loop3A_270 = arith.constant 16 : i32
        %parallel_loop3A_271 = vector.broadcast %parallel_loop3A_270 : i32 to vector<16xi32>
        %parallel_loop3A_272 = arith.addi %max3A_42, %parallel_loop3A_271 : vector<16xi32>
        %parallel_loop3A_273 = arith.select %parallel_loop3A_269, %parallel_loop3A_272, %max3A_42 : vector<16xi1>, vector<16xi32>
        %parallel_loop3A_274 = vector.shape_cast %parallel_loop3A_273 : vector<16xi32> to vector<16x1xi32>
        %parallel_loop3A_275 = vector.shape_cast %parallel_loop3A_274 : vector<16x1xi32> to vector<16xi32>
        %parallel_loop3A_276 = tpu.dynamic_gather %parallel_loop3A_262[%parallel_loop3A_275] in [0] : vector<16xi32>, vector<16xi32> -> vector<16xi32>
        %parallel_loop3A_277 = arith.constant 0 : i32
        %parallel_loop3A_278 = vector.broadcast %parallel_loop3A_277 : i32 to vector<16xi32>
        %parallel_loop3A_279 = arith.cmpi ne, %parallel_loop3A_276, %parallel_loop3A_278 : vector<16xi32>
        %parallel_loop3A_280 = arith.ori %parallel_loop3A_279, %eq3A_47 : vector<16xi1>
        tpu.vector_store_idx %arg6[%parallel_loop3A_249], %parallel_loop3A_256 masked %parallel_loop3A_266 {add = true} : memref<100352xf32, #tpu.memory_space<vmem>>[vector<16xi32>], vector<16xf32>, vector<16xi1>
        %parallel_loop3A_281 = arith.subf %parallel_loop3A_253, %parallel_loop3A_256 : vector<16xf32>
        tpu.vector_store_idx %arg6[%parallel_loop3A_249], %parallel_loop3A_281 masked %parallel_loop3A_280 {add = true} : memref<100352xf32, #tpu.memory_space<vmem>>[vector<16xi32>], vector<16xf32>, vector<16xi1>
      } {sc.loop_unroll_factor = 4 : i64, sc.parallel_access}
      %mul3A_208 = arith.constant 2 : i32
      %mul3A_209 = arith.muli %mul3A_208, %scan3A_176 : i32
      %add3A_210 = arith.constant 1 : i32
      %add3A_211 = arith.addi %mul3A_209, %add3A_210 : i32
      %add3A_212 = arith.constant 1 : i32
      %add3A_213 = arith.addi %add3A_211, %add3A_212 : i32
      %lt3A_214 = arith.constant 50 : i32
      %lt3A_215 = arith.cmpi slt, %add3A_213, %lt3A_214 : i32
      %convert_element_type3A_216 = arith.extui %lt3A_215 : i1 to i32
      %cond3A_217 = arith.constant 0 : i32
      %cond3A_218 = arith.cmpi ne, %convert_element_type3A_216, %cond3A_217 : i32
      scf.if %cond3A_218 {
        %add3A_243 = arith.constant 1 : i32
        %add3A_244 = arith.addi %add3A_211, %add3A_243 : i32
        %mul3A_245 = arith.constant 200000 : i32
        %mul3A_246 = arith.muli %add3A, %mul3A_245 : i32
        %mul3A_247 = arith.constant 4000 : i32
        %mul3A_248 = arith.muli %add3A_244, %mul3A_247 : i32
        %add3A_249 = arith.addi %mul3A_246, %mul3A_248 : i32
        %multiple_of3A_250 = tpu.assume_multiple %add3A_249, 8 : i32
        %dma_start3A_251 = arith.constant 16 : i32
        %dma_start3A_252 = tpu.memref_slice %arg7[%dma_start3A_251] : memref<4032xi32, #tpu.memory_space<vmem>> -> memref<4000xi32, #tpu.memory_space<vmem>>
        %dma_start3A_253 = tpu.memref_slice %arg3[%multiple_of3A_250] : memref<6400000xi32, #tpu.memory_space<hbm>> -> memref<4000xi32, #tpu.memory_space<hbm>>
        %dma_start3A_254 = arith.constant 16 : i32
        %dma_start3A_255 = tpu.memref_slice %arg7[%dma_start3A_254] : memref<4032xi32, #tpu.memory_space<vmem>> -> memref<4000xi32, #tpu.memory_space<vmem>>
        %dma_start3A_256 = tpu.memref_slice %arg3[%multiple_of3A_250] : memref<6400000xi32, #tpu.memory_space<hbm>> -> memref<4000xi32, #tpu.memory_space<hbm>>
        tpu.enqueue_dma source(%dma_start3A_256 : memref<4000xi32, #tpu.memory_space<hbm>>) target(%dma_start3A_255 : memref<4000xi32, #tpu.memory_space<vmem>>) target_semaphore(%arg13 : memref<!tpu.dma_semaphore, #tpu.memory_space<semaphore_mem>>)
        %mul3A_257 = arith.constant 200000 : i32
        %mul3A_258 = arith.muli %add3A, %mul3A_257 : i32
        %mul3A_259 = arith.constant 4000 : i32
        %mul3A_260 = arith.muli %add3A_244, %mul3A_259 : i32
        %add3A_261 = arith.addi %mul3A_258, %mul3A_260 : i32
        %multiple_of3A_262 = tpu.assume_multiple %add3A_261, 8 : i32
        %dma_start3A_263 = tpu.memref_slice %arg2[%multiple_of3A_262] : memref<6400000xf32, #tpu.memory_space<hbm>> -> memref<4000xf32, #tpu.memory_space<hbm>>
        %dma_start3A_264 = tpu.memref_slice %arg2[%multiple_of3A_262] : memref<6400000xf32, #tpu.memory_space<hbm>> -> memref<4000xf32, #tpu.memory_space<hbm>>
        tpu.enqueue_dma source(%dma_start3A_264 : memref<4000xf32, #tpu.memory_space<hbm>>) target(%arg9 : memref<4000xf32, #tpu.memory_space<vmem>>) target_semaphore(%arg15 : memref<!tpu.dma_semaphore, #tpu.memory_space<semaphore_mem>>)
      } else {
      }
      %mul3A_219 = arith.constant 200000 : i32
      %mul3A_220 = arith.muli %add3A, %mul3A_219 : i32
      %mul3A_221 = arith.constant 4000 : i32
      %mul3A_222 = arith.muli %add3A_211, %mul3A_221 : i32
      %add3A_223 = arith.addi %mul3A_220, %mul3A_222 : i32
      %multiple_of3A_224 = tpu.assume_multiple %add3A_223, 8 : i32
      %dma_wait3A_225 = arith.constant 16 : i32
      %dma_wait3A_226 = tpu.memref_slice %arg8[%dma_wait3A_225] : memref<4032xi32, #tpu.memory_space<vmem>> -> memref<4000xi32, #tpu.memory_space<vmem>>
      %dma_wait3A_227 = tpu.memref_slice %arg3[%multiple_of3A_224] : memref<6400000xi32, #tpu.memory_space<hbm>> -> memref<4000xi32, #tpu.memory_space<hbm>>
      %dma_wait3A_228 = arith.constant 16 : i32
      %dma_wait3A_229 = tpu.memref_slice %arg8[%dma_wait3A_228] : memref<4032xi32, #tpu.memory_space<vmem>> -> memref<4000xi32, #tpu.memory_space<vmem>>
      %dma_wait3A_230 = tpu.memref_slice %arg3[%multiple_of3A_224] : memref<6400000xi32, #tpu.memory_space<hbm>> -> memref<4000xi32, #tpu.memory_space<hbm>>
      tpu.wait_dma2 semaphore(%arg14 : memref<!tpu.dma_semaphore, #tpu.memory_space<semaphore_mem>>) src(%dma_wait3A_230 : memref<4000xi32, #tpu.memory_space<hbm>>) dst(%dma_wait3A_229 : memref<4000xi32, #tpu.memory_space<vmem>>)
      %mul3A_231 = arith.constant 200000 : i32
      %mul3A_232 = arith.muli %add3A, %mul3A_231 : i32
      %mul3A_233 = arith.constant 4000 : i32
      %mul3A_234 = arith.muli %add3A_211, %mul3A_233 : i32
      %add3A_235 = arith.addi %mul3A_232, %mul3A_234 : i32
      %multiple_of3A_236 = tpu.assume_multiple %add3A_235, 8 : i32
      %dma_wait3A_237 = tpu.memref_slice %arg2[%multiple_of3A_236] : memref<6400000xf32, #tpu.memory_space<hbm>> -> memref<4000xf32, #tpu.memory_space<hbm>>
      %dma_wait3A_238 = tpu.memref_slice %arg2[%multiple_of3A_236] : memref<6400000xf32, #tpu.memory_space<hbm>> -> memref<4000xf32, #tpu.memory_space<hbm>>
      tpu.wait_dma2 semaphore(%arg16 : memref<!tpu.dma_semaphore, #tpu.memory_space<semaphore_mem>>) src(%dma_wait3A_238 : memref<4000xf32, #tpu.memory_space<hbm>>) dst(%arg10 : memref<4000xf32, #tpu.memory_space<vmem>>)
      %parallel_loop3A_239 = arith.constant 0 : i32
      %parallel_loop3A_240 = arith.constant 250 : i32
      %parallel_loop3A_241 = arith.constant 1 : i32
      scf.for %parallel_loop3A_243 = %parallel_loop3A_239 to %parallel_loop3A_240 step %parallel_loop3A_241  : i32 {
        %parallel_loop3A_244 = arith.constant 16 : i32
        %parallel_loop3A_245 = arith.muli %parallel_loop3A_243, %parallel_loop3A_244 : i32
        %parallel_loop3A_246 = arith.constant 16 : i32
        %parallel_loop3A_247 = arith.addi %parallel_loop3A_246, %parallel_loop3A_245 : i32
        %parallel_loop3A_248 = arith.index_cast %parallel_loop3A_247 : i32 to index
        %parallel_loop3A_249 = tpu.vector_load %arg8[%parallel_loop3A_248] {strides = array<i32>} : memref<4032xi32, #tpu.memory_space<vmem>>, vector<16xi32>,
        %parallel_loop3A_250 = arith.constant 16 : i32
        %parallel_loop3A_251 = arith.muli %parallel_loop3A_243, %parallel_loop3A_250 : i32
        %parallel_loop3A_252 = arith.index_cast %parallel_loop3A_251 : i32 to index
        %parallel_loop3A_253 = tpu.vector_load %arg10[%parallel_loop3A_252] {strides = array<i32>} : memref<4000xf32, #tpu.memory_space<vmem>>, vector<16xf32>,
        %parallel_loop3A_254 = arith.constant true
        %parallel_loop3A_255 = vector.broadcast %parallel_loop3A_254 : i1 to vector<16xi1>
        %parallel_loop3A_256 = tpu.scan <sum>, %parallel_loop3A_253 masked %parallel_loop3A_255 : vector<16xf32>, vector<16xi1> -> vector<16xf32>
        %parallel_loop3A_257 = arith.constant 1 : i32
        %parallel_loop3A_258 = arith.addi %parallel_loop3A_247, %parallel_loop3A_257 : i32
        %parallel_loop3A_259 = arith.index_cast %parallel_loop3A_258 : i32 to index
        %parallel_loop3A_260 = tpu.vector_load %arg8[%parallel_loop3A_259] {strides = array<i32>} : memref<4032xi32, #tpu.memory_space<vmem>>, vector<16xi32>,
        %parallel_loop3A_261 = arith.cmpi ne, %parallel_loop3A_249, %parallel_loop3A_260 : vector<16xi32>
        %parallel_loop3A_262 = arith.extui %parallel_loop3A_261 : vector<16xi1> to vector<16xi32>
        %parallel_loop3A_263 = arith.constant 0 : i32
        %parallel_loop3A_264 = vector.broadcast %parallel_loop3A_263 : i32 to vector<16xi32>
        %parallel_loop3A_265 = arith.cmpi ne, %parallel_loop3A_262, %parallel_loop3A_264 : vector<16xi32>
        %parallel_loop3A_266 = arith.ori %parallel_loop3A_265, %eq3A_44 : vector<16xi1>
        %parallel_loop3A_267 = arith.constant 0 : i32
        %parallel_loop3A_268 = vector.broadcast %parallel_loop3A_267 : i32 to vector<16xi32>
        %parallel_loop3A_269 = arith.cmpi slt, %max3A_42, %parallel_loop3A_268 : vector<16xi32>
        %parallel_loop3A_270 = arith.constant 16 : i32
        %parallel_loop3A_271 = vector.broadcast %parallel_loop3A_270 : i32 to vector<16xi32>
        %parallel_loop3A_272 = arith.addi %max3A_42, %parallel_loop3A_271 : vector<16xi32>
        %parallel_loop3A_273 = arith.select %parallel_loop3A_269, %parallel_loop3A_272, %max3A_42 : vector<16xi1>, vector<16xi32>
        %parallel_loop3A_274 = vector.shape_cast %parallel_loop3A_273 : vector<16xi32> to vector<16x1xi32>
        %parallel_loop3A_275 = vector.shape_cast %parallel_loop3A_274 : vector<16x1xi32> to vector<16xi32>
        %parallel_loop3A_276 = tpu.dynamic_gather %parallel_loop3A_262[%parallel_loop3A_275] in [0] : vector<16xi32>, vector<16xi32> -> vector<16xi32>
        %parallel_loop3A_277 = arith.constant 0 : i32
        %parallel_loop3A_278 = vector.broadcast %parallel_loop3A_277 : i32 to vector<16xi32>
        %parallel_loop3A_279 = arith.cmpi ne, %parallel_loop3A_276, %parallel_loop3A_278 : vector<16xi32>
        %parallel_loop3A_280 = arith.ori %parallel_loop3A_279, %eq3A_47 : vector<16xi1>
        tpu.vector_store_idx %arg6[%parallel_loop3A_249], %parallel_loop3A_256 masked %parallel_loop3A_266 {add = true} : memref<100352xf32, #tpu.memory_space<vmem>>[vector<16xi32>], vector<16xf32>, vector<16xi1>
        %parallel_loop3A_281 = arith.subf %parallel_loop3A_253, %parallel_loop3A_256 : vector<16xf32>
        tpu.vector_store_idx %arg6[%parallel_loop3A_249], %parallel_loop3A_281 masked %parallel_loop3A_280 {add = true} : memref<100352xf32, #tpu.memory_space<vmem>>[vector<16xi32>], vector<16xf32>, vector<16xi1>
      } {sc.loop_unroll_factor = 4 : i64, sc.parallel_access}
      %scan3A_242 = arith.constant 0 : i32
      scf.yield %scan3A_242 : i32
    }
    %scan3A_146 = arith.constant 25 : i32
    %add3A_147 = arith.constant 1 : i32
    %add3A_148 = arith.addi %select_n3A_128, %add3A_147 : i32
    %while3A_149 = arith.constant 0 : i32
    %while3A_150 = arith.subi %add3A_148, %select_n3A_88 : i32
    %while3A_151 = arith.addi %select_n3A_88, %while3A_150 : i32
    %while3A_152 = arith.constant 1 : i32
    %while3A_153 = arith.divsi %while3A_150, %while3A_152 : i32
    %while3A_154 = arith.muli %while3A_153, %while3A_152 : i32
    %while3A_155 = arith.addi %select_n3A_88, %while3A_154 : i32
    %while3A_156 = arith.constant 1 : i32
    %while3A_157 = scf.for %while3A_176 = %select_n3A_88 to %while3A_155 step %while3A_156 iter_args(%while3A_177 = %while3A_149) -> (i32)  : i32 {
      %mul3A_178 = arith.constant 3136 : i32
      %mul3A_179 = arith.muli %while3A_176, %mul3A_178 : i32
      %multiple_of3A_180 = tpu.assume_multiple %mul3A_179, 8 : i32
      %mul3A_181 = arith.constant 100352 : i32
      %mul3A_182 = arith.muli %add3A, %mul3A_181 : i32
      %mul3A_183 = arith.constant 3136 : i32
      %mul3A_184 = arith.muli %while3A_176, %mul3A_183 : i32
      %add3A_185 = arith.addi %mul3A_182, %mul3A_184 : i32
      %multiple_of3A_186 = tpu.assume_multiple %add3A_185, 8 : i32
      "tpu.region"() ({
        %run_scoped3A = tpu.sem_alloc : memref<!tpu.dma_semaphore, #tpu.memory_space<semaphore_mem>>
        %dma_start3A_188 = tpu.memref_slice %arg6[%multiple_of3A_180] : memref<100352xf32, #tpu.memory_space<vmem>> -> memref<3136xf32, #tpu.memory_space<vmem>>
        %dma_start3A_189 = tpu.memref_slice %arg4[%multiple_of3A_186] : memref<3211264xf32, #tpu.memory_space<hbm>> -> memref<3136xf32, #tpu.memory_space<hbm>>
        %dma_start3A_190 = tpu.memref_slice %arg4[%multiple_of3A_186] : memref<3211264xf32, #tpu.memory_space<hbm>> -> memref<3136xf32, #tpu.memory_space<hbm>>
        %dma_start3A_191 = tpu.memref_slice %arg6[%multiple_of3A_180] : memref<100352xf32, #tpu.memory_space<vmem>> -> memref<3136xf32, #tpu.memory_space<vmem>>
        tpu.enqueue_dma source(%dma_start3A_191 : memref<3136xf32, #tpu.memory_space<vmem>>) target(%dma_start3A_190 : memref<3136xf32, #tpu.memory_space<hbm>>) target_semaphore(%run_scoped3A : memref<!tpu.dma_semaphore, #tpu.memory_space<semaphore_mem>>)
        %dma_wait3A_192 = tpu.memref_slice %arg6[%multiple_of3A_180] : memref<100352xf32, #tpu.memory_space<vmem>> -> memref<3136xf32, #tpu.memory_space<vmem>>
        %dma_wait3A_193 = tpu.memref_slice %arg4[%multiple_of3A_186] : memref<3211264xf32, #tpu.memory_space<hbm>> -> memref<3136xf32, #tpu.memory_space<hbm>>
        %dma_wait3A_194 = tpu.memref_slice %arg4[%multiple_of3A_186] : memref<3211264xf32, #tpu.memory_space<hbm>> -> memref<3136xf32, #tpu.memory_space<hbm>>
        %dma_wait3A_195 = tpu.memref_slice %arg6[%multiple_of3A_180] : memref<100352xf32, #tpu.memory_space<vmem>> -> memref<3136xf32, #tpu.memory_space<vmem>>
        tpu.wait_dma2 semaphore(%run_scoped3A : memref<!tpu.dma_semaphore, #tpu.memory_space<semaphore_mem>>) src(%dma_wait3A_195 : memref<3136xf32, #tpu.memory_space<vmem>>) dst(%dma_wait3A_194 : memref<3136xf32, #tpu.memory_space<hbm>>)
        tpu.yield
      }) : () -> ()
      %while3A_187 = arith.constant 0 : i32
      scf.yield %while3A_187 : i32
    }
    %while3A_158 = arith.constant 1 : i32
    %while3A_159 = scf.for %while3A_176 = %while3A_155 to %while3A_151 step %while3A_158 iter_args(%while3A_177 = %while3A_157) -> (i32)  : i32 {
      %mul3A_178 = arith.constant 3136 : i32
      %mul3A_179 = arith.muli %while3A_176, %mul3A_178 : i32
      %multiple_of3A_180 = tpu.assume_multiple %mul3A_179, 8 : i32
      %mul3A_181 = arith.constant 100352 : i32
      %mul3A_182 = arith.muli %add3A, %mul3A_181 : i32
      %mul3A_183 = arith.constant 3136 : i32
      %mul3A_184 = arith.muli %while3A_176, %mul3A_183 : i32
      %add3A_185 = arith.addi %mul3A_182, %mul3A_184 : i32
      %multiple_of3A_186 = tpu.assume_multiple %add3A_185, 8 : i32
      "tpu.region"() ({
        %run_scoped3A = tpu.sem_alloc : memref<!tpu.dma_semaphore, #tpu.memory_space<semaphore_mem>>
        %dma_start3A_188 = tpu.memref_slice %arg6[%multiple_of3A_180] : memref<100352xf32, #tpu.memory_space<vmem>> -> memref<3136xf32, #tpu.memory_space<vmem>>
        %dma_start3A_189 = tpu.memref_slice %arg4[%multiple_of3A_186] : memref<3211264xf32, #tpu.memory_space<hbm>> -> memref<3136xf32, #tpu.memory_space<hbm>>
        %dma_start3A_190 = tpu.memref_slice %arg4[%multiple_of3A_186] : memref<3211264xf32, #tpu.memory_space<hbm>> -> memref<3136xf32, #tpu.memory_space<hbm>>
        %dma_start3A_191 = tpu.memref_slice %arg6[%multiple_of3A_180] : memref<100352xf32, #tpu.memory_space<vmem>> -> memref<3136xf32, #tpu.memory_space<vmem>>
        tpu.enqueue_dma source(%dma_start3A_191 : memref<3136xf32, #tpu.memory_space<vmem>>) target(%dma_start3A_190 : memref<3136xf32, #tpu.memory_space<hbm>>) target_semaphore(%run_scoped3A : memref<!tpu.dma_semaphore, #tpu.memory_space<semaphore_mem>>)
        %dma_wait3A_192 = tpu.memref_slice %arg6[%multiple_of3A_180] : memref<100352xf32, #tpu.memory_space<vmem>> -> memref<3136xf32, #tpu.memory_space<vmem>>
        %dma_wait3A_193 = tpu.memref_slice %arg4[%multiple_of3A_186] : memref<3211264xf32, #tpu.memory_space<hbm>> -> memref<3136xf32, #tpu.memory_space<hbm>>
        %dma_wait3A_194 = tpu.memref_slice %arg4[%multiple_of3A_186] : memref<3211264xf32, #tpu.memory_space<hbm>> -> memref<3136xf32, #tpu.memory_space<hbm>>
        %dma_wait3A_195 = tpu.memref_slice %arg6[%multiple_of3A_180] : memref<100352xf32, #tpu.memory_space<vmem>> -> memref<3136xf32, #tpu.memory_space<vmem>>
        tpu.wait_dma2 semaphore(%run_scoped3A : memref<!tpu.dma_semaphore, #tpu.memory_space<semaphore_mem>>) src(%dma_wait3A_195 : memref<3136xf32, #tpu.memory_space<vmem>>) dst(%dma_wait3A_194 : memref<3136xf32, #tpu.memory_space<hbm>>)
        tpu.yield
      }) : () -> ()
      %while3A_187 = arith.constant 0 : i32
      scf.yield %while3A_187 : i32
    }
    %eq3A_160 = arith.constant 0 : i32
    %eq3A_161 = vector.broadcast %eq3A_160 : i32 to vector<16xi32>
    %eq3A_162 = arith.cmpi eq, %iota3A, %eq3A_161 : vector<16xi32>
    %eq3A_163 = arith.constant 1 : i32
    %eq3A_164 = vector.broadcast %eq3A_163 : i32 to vector<16xi32>
    %eq3A_165 = arith.cmpi eq, %iota3A, %eq3A_164 : vector<16xi32>
    %jit3A_166 = arith.constant 0 : i32
    %broadcast_in_dim3A_167 = vector.broadcast %select_n3A_128 : i32 to vector<16xi32>
    %broadcast_in_dim3A_168 = vector.broadcast %jit3A_166 : i32 to vector<16xi32>
    %select_n3A_169 = arith.select %eq3A_165, %broadcast_in_dim3A_167, %broadcast_in_dim3A_168 : vector<16xi1>, vector<16xi32>
    %broadcast_in_dim3A_170 = vector.broadcast %select_n3A_88 : i32 to vector<16xi32>
    %select_n3A_171 = arith.select %eq3A_162, %broadcast_in_dim3A_170, %select_n3A_169 : vector<16xi1>, vector<16xi32>
    %swap3A = arith.constant 0 : index
    %swap3A_172 = tpu.vector_load %arg12[%swap3A] {strides = array<i32>} : memref<16xi32, #tpu.memory_space<vmem>>, vector<16xi32>,
    tpu.vector_store %arg12[%swap3A], %select_n3A_171 {strides = array<i32>} : memref<16xi32, #tpu.memory_space<vmem>>, vector<16xi32>,
    %mul3A_173 = arith.constant 16 : i32
    %mul3A_174 = arith.muli %add3A, %mul3A_173 : i32
    %multiple_of3A_175 = tpu.assume_multiple %mul3A_174, 8 : i32
    "tpu.region"() ({
      %run_scoped3A = tpu.sem_alloc : memref<!tpu.dma_semaphore, #tpu.memory_space<semaphore_mem>>
      %dma_start3A_176 = tpu.memref_slice %arg5[%multiple_of3A_175] : memref<512xi32, #tpu.memory_space<hbm>> -> memref<16xi32, #tpu.memory_space<hbm>>
      %dma_start3A_177 = tpu.memref_slice %arg5[%multiple_of3A_175] : memref<512xi32, #tpu.memory_space<hbm>> -> memref<16xi32, #tpu.memory_space<hbm>>
      tpu.enqueue_dma source(%arg12 : memref<16xi32, #tpu.memory_space<vmem>>) target(%dma_start3A_177 : memref<16xi32, #tpu.memory_space<hbm>>) target_semaphore(%run_scoped3A : memref<!tpu.dma_semaphore, #tpu.memory_space<semaphore_mem>>)
      %dma_wait3A_178 = tpu.memref_slice %arg5[%multiple_of3A_175] : memref<512xi32, #tpu.memory_space<hbm>> -> memref<16xi32, #tpu.memory_space<hbm>>
      %dma_wait3A_179 = tpu.memref_slice %arg5[%multiple_of3A_175] : memref<512xi32, #tpu.memory_space<hbm>> -> memref<16xi32, #tpu.memory_space<hbm>>
      tpu.wait_dma2 semaphore(%run_scoped3A : memref<!tpu.dma_semaphore, #tpu.memory_space<semaphore_mem>>) src(%arg12 : memref<16xi32, #tpu.memory_space<vmem>>) dst(%dma_wait3A_179 : memref<16xi32, #tpu.memory_space<hbm>>)
      tpu.yield
    }) : () -> ()
    return
  }
}

#map = affine_map<(d0, d1) -> (0)>
module attributes {stable_mosaic.version = 14 : i64} {
  func.func @_k3_body(%arg0: i32, %arg1: i32, %arg2: memref<6400000xf32, #tpu.memory_space<hbm>>, %arg3: memref<6400000xi32, #tpu.memory_space<hbm>>, %arg4: memref<3211264xf32, #tpu.memory_space<hbm>>, %arg5: memref<100352xf32, #tpu.memory_space<hbm>>, %arg6: memref<100352xf32, #tpu.memory_space<hbm>>, %arg7: memref<512xi32, #tpu.memory_space<hbm>>, %arg8: memref<6400000xf32, #tpu.memory_space<hbm>>, %arg9: memref<100352xf32, #tpu.memory_space<vmem>>, %arg10: memref<4000xi32, #tpu.memory_space<vmem>>, %arg11: memref<4000xi32, #tpu.memory_space<vmem>>, %arg12: memref<4000xf32, #tpu.memory_space<vmem>>, %arg13: memref<4000xf32, #tpu.memory_space<vmem>>, %arg14: memref<4000xf32, #tpu.memory_space<vmem>>, %arg15: memref<4000xf32, #tpu.memory_space<vmem>>, %arg16: memref<32xi32, #tpu.memory_space<vmem>>, %arg17: memref<3136xf32, #tpu.memory_space<vmem>>, %arg18: memref<512xi32, #tpu.memory_space<vmem>>, %arg19: memref<!tpu.dma_semaphore, #tpu.memory_space<semaphore_mem>>, %arg20: memref<!tpu.dma_semaphore, #tpu.memory_space<semaphore_mem>>, %arg21: memref<!tpu.dma_semaphore, #tpu.memory_space<semaphore_mem>>, %arg22: memref<!tpu.dma_semaphore, #tpu.memory_space<semaphore_mem>>, %arg23: memref<!tpu.dma_semaphore, #tpu.memory_space<semaphore_mem>>, %arg24: memref<!tpu.dma_semaphore, #tpu.memory_space<semaphore_mem>>, %arg25: memref<!tpu.dma_semaphore, #tpu.memory_space<semaphore_mem>>) attributes {dimension_semantics = [#tpu.dimension_semantics<core_parallel>, #tpu.dimension_semantics<subcore_parallel>], iteration_bounds = array<i64: 2, 16>, scalar_prefetch = 0 : i64, scratch_operands = 17 : i64, tpu.core_type = #tpu.core_type<sc_vector_subcore>, window_params = [{transform_indices = #map}, {transform_indices = #map}, {transform_indices = #map}, {transform_indices = #map}, {transform_indices = #map}, {transform_indices = #map}, {transform_indices = #map}]} {
    %mul3A = arith.constant 2 : i32
    %mul3A_0 = arith.muli %arg1, %mul3A : i32
    %add3A = arith.addi %mul3A_0, %arg0 : i32
    %mul3A_1 = arith.constant 200000 : i32
    %mul3A_2 = arith.muli %add3A, %mul3A_1 : i32
    %multiple_of3A = tpu.assume_multiple %mul3A_2, 8 : i32
    %mul3A_3 = arith.constant 200000 : i32
    %mul3A_4 = arith.muli %add3A, %mul3A_3 : i32
    %add3A_5 = arith.constant 200000 : i32
    %add3A_6 = arith.addi %mul3A_4, %add3A_5 : i32
    %sub3A = arith.constant 16 : i32
    %sub3A_7 = arith.subi %add3A_6, %sub3A : i32
    %multiple_of3A_8 = tpu.assume_multiple %sub3A_7, 8 : i32
    %dma_start3A = arith.constant 0 : i32
    %dma_start3A_9 = tpu.memref_slice %arg16[%dma_start3A] : memref<32xi32, #tpu.memory_space<vmem>> -> memref<16xi32, #tpu.memory_space<vmem>>
    %dma_start3A_10 = tpu.memref_slice %arg3[%multiple_of3A] : memref<6400000xi32, #tpu.memory_space<hbm>> -> memref<16xi32, #tpu.memory_space<hbm>>
    %dma_start3A_11 = arith.constant 0 : i32
    %dma_start3A_12 = tpu.memref_slice %arg16[%dma_start3A_11] : memref<32xi32, #tpu.memory_space<vmem>> -> memref<16xi32, #tpu.memory_space<vmem>>
    %dma_start3A_13 = tpu.memref_slice %arg3[%multiple_of3A] : memref<6400000xi32, #tpu.memory_space<hbm>> -> memref<16xi32, #tpu.memory_space<hbm>>
    tpu.enqueue_dma source(%dma_start3A_13 : memref<16xi32, #tpu.memory_space<hbm>>) target(%dma_start3A_12 : memref<16xi32, #tpu.memory_space<vmem>>) target_semaphore(%arg25 : memref<!tpu.dma_semaphore, #tpu.memory_space<semaphore_mem>>)
    %dma_start3A_14 = arith.constant 16 : i32
    %dma_start3A_15 = tpu.memref_slice %arg16[%dma_start3A_14] : memref<32xi32, #tpu.memory_space<vmem>> -> memref<16xi32, #tpu.memory_space<vmem>>
    %dma_start3A_16 = tpu.memref_slice %arg3[%multiple_of3A_8] : memref<6400000xi32, #tpu.memory_space<hbm>> -> memref<16xi32, #tpu.memory_space<hbm>>
    %dma_start3A_17 = arith.constant 16 : i32
    %dma_start3A_18 = tpu.memref_slice %arg16[%dma_start3A_17] : memref<32xi32, #tpu.memory_space<vmem>> -> memref<16xi32, #tpu.memory_space<vmem>>
    %dma_start3A_19 = tpu.memref_slice %arg3[%multiple_of3A_8] : memref<6400000xi32, #tpu.memory_space<hbm>> -> memref<16xi32, #tpu.memory_space<hbm>>
    tpu.enqueue_dma source(%dma_start3A_19 : memref<16xi32, #tpu.memory_space<hbm>>) target(%dma_start3A_18 : memref<16xi32, #tpu.memory_space<vmem>>) target_semaphore(%arg25 : memref<!tpu.dma_semaphore, #tpu.memory_space<semaphore_mem>>)
    %mul3A_20 = arith.constant 200000 : i32
    %mul3A_21 = arith.muli %add3A, %mul3A_20 : i32
    %add3A_22 = arith.constant 0 : i32
    %add3A_23 = arith.addi %mul3A_21, %add3A_22 : i32
    %multiple_of3A_24 = tpu.assume_multiple %add3A_23, 8 : i32
    %dma_start3A_25 = tpu.memref_slice %arg3[%multiple_of3A_24] : memref<6400000xi32, #tpu.memory_space<hbm>> -> memref<4000xi32, #tpu.memory_space<hbm>>
    %dma_start3A_26 = tpu.memref_slice %arg3[%multiple_of3A_24] : memref<6400000xi32, #tpu.memory_space<hbm>> -> memref<4000xi32, #tpu.memory_space<hbm>>
    tpu.enqueue_dma source(%dma_start3A_26 : memref<4000xi32, #tpu.memory_space<hbm>>) target(%arg10 : memref<4000xi32, #tpu.memory_space<vmem>>) target_semaphore(%arg19 : memref<!tpu.dma_semaphore, #tpu.memory_space<semaphore_mem>>)
    %mul3A_27 = arith.constant 200000 : i32
    %mul3A_28 = arith.muli %add3A, %mul3A_27 : i32
    %add3A_29 = arith.constant 0 : i32
    %add3A_30 = arith.addi %mul3A_28, %add3A_29 : i32
    %multiple_of3A_31 = tpu.assume_multiple %add3A_30, 8 : i32
    %dma_start3A_32 = tpu.memref_slice %arg2[%multiple_of3A_31] : memref<6400000xf32, #tpu.memory_space<hbm>> -> memref<4000xf32, #tpu.memory_space<hbm>>
    %dma_start3A_33 = tpu.memref_slice %arg2[%multiple_of3A_31] : memref<6400000xf32, #tpu.memory_space<hbm>> -> memref<4000xf32, #tpu.memory_space<hbm>>
    tpu.enqueue_dma source(%dma_start3A_33 : memref<4000xf32, #tpu.memory_space<hbm>>) target(%arg12 : memref<4000xf32, #tpu.memory_space<vmem>>) target_semaphore(%arg21 : memref<!tpu.dma_semaphore, #tpu.memory_space<semaphore_mem>>)
    %iota3A = tpu.iota {dimensions = array<i32: 0>} : vector<16xi32>
    %dma_wait3A = arith.constant 0 : i32
    %dma_wait3A_34 = tpu.memref_slice %arg16[%dma_wait3A] : memref<32xi32, #tpu.memory_space<vmem>> -> memref<16xi32, #tpu.memory_space<vmem>>
    %dma_wait3A_35 = tpu.memref_slice %arg3[%multiple_of3A] : memref<6400000xi32, #tpu.memory_space<hbm>> -> memref<16xi32, #tpu.memory_space<hbm>>
    %dma_wait3A_36 = arith.constant 0 : i32
    %dma_wait3A_37 = tpu.memref_slice %arg16[%dma_wait3A_36] : memref<32xi32, #tpu.memory_space<vmem>> -> memref<16xi32, #tpu.memory_space<vmem>>
    %dma_wait3A_38 = tpu.memref_slice %arg3[%multiple_of3A] : memref<6400000xi32, #tpu.memory_space<hbm>> -> memref<16xi32, #tpu.memory_space<hbm>>
    tpu.wait_dma2 semaphore(%arg25 : memref<!tpu.dma_semaphore, #tpu.memory_space<semaphore_mem>>) src(%dma_wait3A_38 : memref<16xi32, #tpu.memory_space<hbm>>) dst(%dma_wait3A_37 : memref<16xi32, #tpu.memory_space<vmem>>)
    %dma_wait3A_39 = arith.constant 16 : i32
    %dma_wait3A_40 = tpu.memref_slice %arg16[%dma_wait3A_39] : memref<32xi32, #tpu.memory_space<vmem>> -> memref<16xi32, #tpu.memory_space<vmem>>
    %dma_wait3A_41 = tpu.memref_slice %arg3[%multiple_of3A_8] : memref<6400000xi32, #tpu.memory_space<hbm>> -> memref<16xi32, #tpu.memory_space<hbm>>
    %dma_wait3A_42 = arith.constant 16 : i32
    %dma_wait3A_43 = tpu.memref_slice %arg16[%dma_wait3A_42] : memref<32xi32, #tpu.memory_space<vmem>> -> memref<16xi32, #tpu.memory_space<vmem>>
    %dma_wait3A_44 = tpu.memref_slice %arg3[%multiple_of3A_8] : memref<6400000xi32, #tpu.memory_space<hbm>> -> memref<16xi32, #tpu.memory_space<hbm>>
    tpu.wait_dma2 semaphore(%arg25 : memref<!tpu.dma_semaphore, #tpu.memory_space<semaphore_mem>>) src(%dma_wait3A_44 : memref<16xi32, #tpu.memory_space<hbm>>) dst(%dma_wait3A_43 : memref<16xi32, #tpu.memory_space<vmem>>)
    %get3A = arith.constant 0 : index
    %get3A_45 = tpu.vector_load %arg16[%get3A] {strides = array<i32>} : memref<32xi32, #tpu.memory_space<vmem>>, vector<16xi32>,
    %eq3A = arith.constant 0 : i32
    %eq3A_46 = vector.broadcast %eq3A : i32 to vector<16xi32>
    %eq3A_47 = arith.cmpi eq, %iota3A, %eq3A_46 : vector<16xi32>
    %jit3A = arith.constant 2147483647 : i32
    %broadcast_in_dim3A = vector.broadcast %jit3A : i32 to vector<16xi32>
    %select_n3A = arith.select %eq3A_47, %get3A_45, %broadcast_in_dim3A : vector<16xi1>, vector<16xi32>
    %reduce_min3A = arith.constant true
    %reduce_min3A_48 = vector.broadcast %reduce_min3A : i1 to vector<16xi1>
    %reduce_min3A_49 = arith.constant -2147483648 : i32
    %reduce_min3A_50 = vector.broadcast %reduce_min3A_49 : i32 to vector<16xi32>
    %reduce_min3A_51 = arith.xori %select_n3A, %reduce_min3A_50 : vector<16xi32>
    %reduce_min3A_52 = tpu.scan <min>, %reduce_min3A_51 masked %reduce_min3A_48 : vector<16xi32>, vector<16xi1> -> vector<16xi32>
    %reduce_min3A_53 = arith.xori %reduce_min3A_52, %reduce_min3A_50 : vector<16xi32>
    %reduce_min3A_54 = vector.extract %reduce_min3A_53[15] : i32 from vector<16xi32>
    %jit3A_55 = arith.constant 3136 : i32
    %div3A = arith.divsi %reduce_min3A_54, %jit3A_55 : i32
    %sign3A = arith.constant 0 : i32
    %sign3A_56 = arith.cmpi sgt, %reduce_min3A_54, %sign3A : i32
    %sign3A_57 = arith.extui %sign3A_56 : i1 to i32
    %sign3A_58 = arith.constant 0 : i32
    %sign3A_59 = arith.cmpi slt, %reduce_min3A_54, %sign3A_58 : i32
    %sign3A_60 = arith.extui %sign3A_59 : i1 to i32
    %sign3A_61 = arith.subi %sign3A_57, %sign3A_60 : i32
    %sign3A_62 = arith.constant 0 : i32
    %sign3A_63 = arith.cmpi sgt, %jit3A_55, %sign3A_62 : i32
    %sign3A_64 = arith.extui %sign3A_63 : i1 to i32
    %sign3A_65 = arith.constant 0 : i32
    %sign3A_66 = arith.cmpi slt, %jit3A_55, %sign3A_65 : i32
    %sign3A_67 = arith.extui %sign3A_66 : i1 to i32
    %sign3A_68 = arith.subi %sign3A_64, %sign3A_67 : i32
    %ne3A = arith.cmpi ne, %sign3A_61, %sign3A_68 : i32
    %rem3A = arith.remsi %reduce_min3A_54, %jit3A_55 : i32
    %ne3A_69 = arith.constant 0 : i32
    %ne3A_70 = arith.cmpi ne, %rem3A, %ne3A_69 : i32
    %and3A = arith.andi %ne3A, %ne3A_70 : i1
    %sub3A_71 = arith.constant 1 : i32
    %sub3A_72 = arith.subi %div3A, %sub3A_71 : i32
    %select_n3A_73 = arith.select %and3A, %sub3A_72, %div3A : i32
    %get3A_74 = arith.constant 16 : index
    %get3A_75 = tpu.vector_load %arg16[%get3A_74] {strides = array<i32>} : memref<32xi32, #tpu.memory_space<vmem>>, vector<16xi32>,
    %eq3A_76 = arith.constant 15 : i32
    %eq3A_77 = vector.broadcast %eq3A_76 : i32 to vector<16xi32>
    %eq3A_78 = arith.cmpi eq, %iota3A, %eq3A_77 : vector<16xi32>
    %jit3A_79 = arith.constant 2147483647 : i32
    %broadcast_in_dim3A_80 = vector.broadcast %jit3A_79 : i32 to vector<16xi32>
    %select_n3A_81 = arith.select %eq3A_78, %get3A_75, %broadcast_in_dim3A_80 : vector<16xi1>, vector<16xi32>
    %reduce_min3A_82 = arith.constant true
    %reduce_min3A_83 = vector.broadcast %reduce_min3A_82 : i1 to vector<16xi1>
    %reduce_min3A_84 = arith.constant -2147483648 : i32
    %reduce_min3A_85 = vector.broadcast %reduce_min3A_84 : i32 to vector<16xi32>
    %reduce_min3A_86 = arith.xori %select_n3A_81, %reduce_min3A_85 : vector<16xi32>
    %reduce_min3A_87 = tpu.scan <min>, %reduce_min3A_86 masked %reduce_min3A_83 : vector<16xi32>, vector<16xi1> -> vector<16xi32>
    %reduce_min3A_88 = arith.xori %reduce_min3A_87, %reduce_min3A_85 : vector<16xi32>
    %reduce_min3A_89 = vector.extract %reduce_min3A_88[15] : i32 from vector<16xi32>
    %jit3A_90 = arith.constant 3136 : i32
    %div3A_91 = arith.divsi %reduce_min3A_89, %jit3A_90 : i32
    %sign3A_92 = arith.constant 0 : i32
    %sign3A_93 = arith.cmpi sgt, %reduce_min3A_89, %sign3A_92 : i32
    %sign3A_94 = arith.extui %sign3A_93 : i1 to i32
    %sign3A_95 = arith.constant 0 : i32
    %sign3A_96 = arith.cmpi slt, %reduce_min3A_89, %sign3A_95 : i32
    %sign3A_97 = arith.extui %sign3A_96 : i1 to i32
    %sign3A_98 = arith.subi %sign3A_94, %sign3A_97 : i32
    %sign3A_99 = arith.constant 0 : i32
    %sign3A_100 = arith.cmpi sgt, %jit3A_90, %sign3A_99 : i32
    %sign3A_101 = arith.extui %sign3A_100 : i1 to i32
    %sign3A_102 = arith.constant 0 : i32
    %sign3A_103 = arith.cmpi slt, %jit3A_90, %sign3A_102 : i32
    %sign3A_104 = arith.extui %sign3A_103 : i1 to i32
    %sign3A_105 = arith.subi %sign3A_101, %sign3A_104 : i32
    %ne3A_106 = arith.cmpi ne, %sign3A_98, %sign3A_105 : i32
    %rem3A_107 = arith.remsi %reduce_min3A_89, %jit3A_90 : i32
    %ne3A_108 = arith.constant 0 : i32
    %ne3A_109 = arith.cmpi ne, %rem3A_107, %ne3A_108 : i32
    %and3A_110 = arith.andi %ne3A_106, %ne3A_109 : i1
    %sub3A_111 = arith.constant 1 : i32
    %sub3A_112 = arith.subi %div3A_91, %sub3A_111 : i32
    %select_n3A_113 = arith.select %and3A_110, %sub3A_112, %div3A_91 : i32
    "tpu.region"() ({
      %run_scoped3A = tpu.sem_alloc : memref<!tpu.dma_semaphore, #tpu.memory_space<semaphore_mem>>
      tpu.enqueue_dma source(%arg7 : memref<512xi32, #tpu.memory_space<hbm>>) target(%arg18 : memref<512xi32, #tpu.memory_space<vmem>>) target_semaphore(%run_scoped3A : memref<!tpu.dma_semaphore, #tpu.memory_space<semaphore_mem>>)
      tpu.wait_dma2 semaphore(%run_scoped3A : memref<!tpu.dma_semaphore, #tpu.memory_space<semaphore_mem>>) src(%arg7 : memref<512xi32, #tpu.memory_space<hbm>>) dst(%arg18 : memref<512xi32, #tpu.memory_space<vmem>>)
      tpu.yield
    }) : () -> ()
    %add3A_114 = arith.constant 1 : i32
    %add3A_115 = arith.addi %select_n3A_113, %add3A_114 : i32
    %while3A = arith.constant 0 : i32
    %while3A_116 = arith.subi %add3A_115, %select_n3A_73 : i32
    %while3A_117 = arith.addi %select_n3A_73, %while3A_116 : i32
    %while3A_118 = arith.constant 1 : i32
    %while3A_119 = arith.divsi %while3A_116, %while3A_118 : i32
    %while3A_120 = arith.muli %while3A_119, %while3A_118 : i32
    %while3A_121 = arith.addi %select_n3A_73, %while3A_120 : i32
    %while3A_122 = arith.constant 1 : i32
    %while3A_123 = scf.for %while3A_146 = %select_n3A_73 to %while3A_121 step %while3A_122 iter_args(%while3A_147 = %while3A) -> (i32)  : i32 {
      %mul3A_148 = arith.constant 3136 : i32
      %mul3A_149 = arith.muli %while3A_146, %mul3A_148 : i32
      %multiple_of3A_150 = tpu.assume_multiple %mul3A_149, 8 : i32
      "tpu.region"() ({
        %run_scoped3A = tpu.sem_alloc : memref<!tpu.dma_semaphore, #tpu.memory_space<semaphore_mem>>
        %dma_start3A_161 = tpu.memref_slice %arg9[%multiple_of3A_150] : memref<100352xf32, #tpu.memory_space<vmem>> -> memref<3136xf32, #tpu.memory_space<vmem>>
        %dma_start3A_162 = tpu.memref_slice %arg5[%multiple_of3A_150] : memref<100352xf32, #tpu.memory_space<hbm>> -> memref<3136xf32, #tpu.memory_space<hbm>>
        %dma_start3A_163 = tpu.memref_slice %arg9[%multiple_of3A_150] : memref<100352xf32, #tpu.memory_space<vmem>> -> memref<3136xf32, #tpu.memory_space<vmem>>
        %dma_start3A_164 = tpu.memref_slice %arg5[%multiple_of3A_150] : memref<100352xf32, #tpu.memory_space<hbm>> -> memref<3136xf32, #tpu.memory_space<hbm>>
        tpu.enqueue_dma source(%dma_start3A_164 : memref<3136xf32, #tpu.memory_space<hbm>>) target(%dma_start3A_163 : memref<3136xf32, #tpu.memory_space<vmem>>) target_semaphore(%run_scoped3A : memref<!tpu.dma_semaphore, #tpu.memory_space<semaphore_mem>>)
        %dma_wait3A_165 = tpu.memref_slice %arg9[%multiple_of3A_150] : memref<100352xf32, #tpu.memory_space<vmem>> -> memref<3136xf32, #tpu.memory_space<vmem>>
        %dma_wait3A_166 = tpu.memref_slice %arg5[%multiple_of3A_150] : memref<100352xf32, #tpu.memory_space<hbm>> -> memref<3136xf32, #tpu.memory_space<hbm>>
        %dma_wait3A_167 = tpu.memref_slice %arg9[%multiple_of3A_150] : memref<100352xf32, #tpu.memory_space<vmem>> -> memref<3136xf32, #tpu.memory_space<vmem>>
        %dma_wait3A_168 = tpu.memref_slice %arg5[%multiple_of3A_150] : memref<100352xf32, #tpu.memory_space<hbm>> -> memref<3136xf32, #tpu.memory_space<hbm>>
        tpu.wait_dma2 semaphore(%run_scoped3A : memref<!tpu.dma_semaphore, #tpu.memory_space<semaphore_mem>>) src(%dma_wait3A_168 : memref<3136xf32, #tpu.memory_space<hbm>>) dst(%dma_wait3A_167 : memref<3136xf32, #tpu.memory_space<vmem>>)
        tpu.yield
      }) : () -> ()
      %scan3A_151 = arith.constant 0 : i32
      %scan3A_152 = arith.constant 0 : i32
      %scan3A_153 = arith.constant 32 : i32
      %scan3A_154 = arith.addi %scan3A_152, %scan3A_153 : i32
      %scan3A_155 = arith.constant 1 : i32
      %scan3A_156 = scf.for %scan3A_161 = %scan3A_152 to %scan3A_154 step %scan3A_155 iter_args(%scan3A_162 = %scan3A_151) -> (i32)  : i32 {
        %mul3A_163 = arith.constant 16 : i32
        %mul3A_164 = arith.muli %scan3A_161, %mul3A_163 : i32
        %multiple_of3A_165 = tpu.assume_multiple %mul3A_164, 8 : i32
        %get3A_166 = arith.index_cast %multiple_of3A_165 : i32 to index
        %get3A_167 = tpu.vector_load %arg18[%get3A_166] {strides = array<i32>} : memref<512xi32, #tpu.memory_space<vmem>>, vector<16xi32>,
        %eq3A_168 = arith.constant 0 : i32
        %eq3A_169 = vector.broadcast %eq3A_168 : i32 to vector<16xi32>
        %eq3A_170 = arith.cmpi eq, %iota3A, %eq3A_169 : vector<16xi32>
        %jit3A_171 = arith.constant 2147483647 : i32
        %broadcast_in_dim3A_172 = vector.broadcast %jit3A_171 : i32 to vector<16xi32>
        %select_n3A_173 = arith.select %eq3A_170, %get3A_167, %broadcast_in_dim3A_172 : vector<16xi1>, vector<16xi32>
        %reduce_min3A_174 = arith.constant true
        %reduce_min3A_175 = vector.broadcast %reduce_min3A_174 : i1 to vector<16xi1>
        %reduce_min3A_176 = arith.constant -2147483648 : i32
        %reduce_min3A_177 = vector.broadcast %reduce_min3A_176 : i32 to vector<16xi32>
        %reduce_min3A_178 = arith.xori %select_n3A_173, %reduce_min3A_177 : vector<16xi32>
        %reduce_min3A_179 = tpu.scan <min>, %reduce_min3A_178 masked %reduce_min3A_175 : vector<16xi32>, vector<16xi1> -> vector<16xi32>
        %reduce_min3A_180 = arith.xori %reduce_min3A_179, %reduce_min3A_177 : vector<16xi32>
        %reduce_min3A_181 = vector.extract %reduce_min3A_180[15] : i32 from vector<16xi32>
        %eq3A_182 = arith.constant 1 : i32
        %eq3A_183 = vector.broadcast %eq3A_182 : i32 to vector<16xi32>
        %eq3A_184 = arith.cmpi eq, %iota3A, %eq3A_183 : vector<16xi32>
        %jit3A_185 = arith.constant 2147483647 : i32
        %broadcast_in_dim3A_186 = vector.broadcast %jit3A_185 : i32 to vector<16xi32>
        %select_n3A_187 = arith.select %eq3A_184, %get3A_167, %broadcast_in_dim3A_186 : vector<16xi1>, vector<16xi32>
        %reduce_min3A_188 = arith.constant true
        %reduce_min3A_189 = vector.broadcast %reduce_min3A_188 : i1 to vector<16xi1>
        %reduce_min3A_190 = arith.constant -2147483648 : i32
        %reduce_min3A_191 = vector.broadcast %reduce_min3A_190 : i32 to vector<16xi32>
        %reduce_min3A_192 = arith.xori %select_n3A_187, %reduce_min3A_191 : vector<16xi32>
        %reduce_min3A_193 = tpu.scan <min>, %reduce_min3A_192 masked %reduce_min3A_189 : vector<16xi32>, vector<16xi1> -> vector<16xi32>
        %reduce_min3A_194 = arith.xori %reduce_min3A_193, %reduce_min3A_191 : vector<16xi32>
        %reduce_min3A_195 = vector.extract %reduce_min3A_194[15] : i32 from vector<16xi32>
        %le3A = arith.cmpi sle, %reduce_min3A_181, %while3A_146 : i32
        %le3A_196 = arith.cmpi sle, %while3A_146, %reduce_min3A_195 : i32
        %and3A_197 = arith.andi %le3A, %le3A_196 : i1
        %convert_element_type3A = arith.extui %and3A_197 : i1 to i32
        %cond3A = arith.constant 0 : i32
        %cond3A_198 = arith.cmpi ne, %convert_element_type3A, %cond3A : i32
        scf.if %cond3A_198 {
          %mul3A_200 = arith.constant 100352 : i32
          %mul3A_201 = arith.muli %scan3A_161, %mul3A_200 : i32
          %mul3A_202 = arith.constant 3136 : i32
          %mul3A_203 = arith.muli %while3A_146, %mul3A_202 : i32
          %add3A_204 = arith.addi %mul3A_201, %mul3A_203 : i32
          %multiple_of3A_205 = tpu.assume_multiple %add3A_204, 8 : i32
          "tpu.region"() ({
            %run_scoped3A = tpu.sem_alloc : memref<!tpu.dma_semaphore, #tpu.memory_space<semaphore_mem>>
            %dma_start3A_209 = tpu.memref_slice %arg4[%multiple_of3A_205] : memref<3211264xf32, #tpu.memory_space<hbm>> -> memref<3136xf32, #tpu.memory_space<hbm>>
            %dma_start3A_210 = tpu.memref_slice %arg4[%multiple_of3A_205] : memref<3211264xf32, #tpu.memory_space<hbm>> -> memref<3136xf32, #tpu.memory_space<hbm>>
            tpu.enqueue_dma source(%dma_start3A_210 : memref<3136xf32, #tpu.memory_space<hbm>>) target(%arg17 : memref<3136xf32, #tpu.memory_space<vmem>>) target_semaphore(%run_scoped3A : memref<!tpu.dma_semaphore, #tpu.memory_space<semaphore_mem>>)
            %dma_wait3A_211 = tpu.memref_slice %arg4[%multiple_of3A_205] : memref<3211264xf32, #tpu.memory_space<hbm>> -> memref<3136xf32, #tpu.memory_space<hbm>>
            %dma_wait3A_212 = tpu.memref_slice %arg4[%multiple_of3A_205] : memref<3211264xf32, #tpu.memory_space<hbm>> -> memref<3136xf32, #tpu.memory_space<hbm>>
            tpu.wait_dma2 semaphore(%run_scoped3A : memref<!tpu.dma_semaphore, #tpu.memory_space<semaphore_mem>>) src(%dma_wait3A_212 : memref<3136xf32, #tpu.memory_space<hbm>>) dst(%arg17 : memref<3136xf32, #tpu.memory_space<vmem>>)
            tpu.yield
          }) : () -> ()
          %parallel_loop3A_206 = arith.constant 0 : i32
          %parallel_loop3A_207 = arith.constant 196 : i32
          %parallel_loop3A_208 = arith.constant 1 : i32
          scf.for %parallel_loop3A_209 = %parallel_loop3A_206 to %parallel_loop3A_207 step %parallel_loop3A_208  : i32 {
            %parallel_loop3A_210 = arith.constant 16 : i32
            %parallel_loop3A_211 = arith.muli %parallel_loop3A_209, %parallel_loop3A_210 : i32
            %parallel_loop3A_212 = arith.addi %multiple_of3A_150, %parallel_loop3A_211 : i32
            %parallel_loop3A_213 = arith.index_cast %parallel_loop3A_212 : i32 to index
            %parallel_loop3A_214 = tpu.vector_load %arg9[%parallel_loop3A_213] {strides = array<i32>} : memref<100352xf32, #tpu.memory_space<vmem>>, vector<16xf32>,
            %parallel_loop3A_215 = arith.constant 16 : i32
            %parallel_loop3A_216 = arith.muli %parallel_loop3A_209, %parallel_loop3A_215 : i32
            %parallel_loop3A_217 = arith.index_cast %parallel_loop3A_216 : i32 to index
            %parallel_loop3A_218 = tpu.vector_load %arg17[%parallel_loop3A_217] {strides = array<i32>} : memref<3136xf32, #tpu.memory_space<vmem>>, vector<16xf32>,
            %parallel_loop3A_219 = arith.subf %parallel_loop3A_214, %parallel_loop3A_218 : vector<16xf32>
            %parallel_loop3A_220 = arith.index_cast %parallel_loop3A_212 : i32 to index
            %parallel_loop3A_221 = tpu.vector_load %arg9[%parallel_loop3A_220] {strides = array<i32>} : memref<100352xf32, #tpu.memory_space<vmem>>, vector<16xf32>,
            tpu.vector_store %arg9[%parallel_loop3A_220], %parallel_loop3A_219 {strides = array<i32>} : memref<100352xf32, #tpu.memory_space<vmem>>, vector<16xf32>,
          } {sc.loop_unroll_factor = 4 : i64, sc.parallel_access}
        } else {
        }
        %scan3A_199 = arith.constant 0 : i32
        scf.yield %scan3A_199 : i32
      }
      %scan3A_157 = arith.constant 32 : i32
      "tpu.region"() ({
        %run_scoped3A = tpu.sem_alloc : memref<!tpu.dma_semaphore, #tpu.memory_space<semaphore_mem>>
        %dma_start3A_161 = tpu.memref_slice %arg6[%multiple_of3A_150] : memref<100352xf32, #tpu.memory_space<hbm>> -> memref<3136xf32, #tpu.memory_space<hbm>>
        %dma_start3A_162 = tpu.memref_slice %arg6[%multiple_of3A_150] : memref<100352xf32, #tpu.memory_space<hbm>> -> memref<3136xf32, #tpu.memory_space<hbm>>
        tpu.enqueue_dma source(%dma_start3A_162 : memref<3136xf32, #tpu.memory_space<hbm>>) target(%arg17 : memref<3136xf32, #tpu.memory_space<vmem>>) target_semaphore(%run_scoped3A : memref<!tpu.dma_semaphore, #tpu.memory_space<semaphore_mem>>)
        %dma_wait3A_163 = tpu.memref_slice %arg6[%multiple_of3A_150] : memref<100352xf32, #tpu.memory_space<hbm>> -> memref<3136xf32, #tpu.memory_space<hbm>>
        %dma_wait3A_164 = tpu.memref_slice %arg6[%multiple_of3A_150] : memref<100352xf32, #tpu.memory_space<hbm>> -> memref<3136xf32, #tpu.memory_space<hbm>>
        tpu.wait_dma2 semaphore(%run_scoped3A : memref<!tpu.dma_semaphore, #tpu.memory_space<semaphore_mem>>) src(%dma_wait3A_164 : memref<3136xf32, #tpu.memory_space<hbm>>) dst(%arg17 : memref<3136xf32, #tpu.memory_space<vmem>>)
        tpu.yield
      }) : () -> ()
      %parallel_loop3A = arith.constant 0 : i32
      %parallel_loop3A_158 = arith.constant 196 : i32
      %parallel_loop3A_159 = arith.constant 1 : i32
      scf.for %parallel_loop3A_161 = %parallel_loop3A to %parallel_loop3A_158 step %parallel_loop3A_159  : i32 {
        %parallel_loop3A_162 = arith.constant 16 : i32
        %parallel_loop3A_163 = arith.muli %parallel_loop3A_161, %parallel_loop3A_162 : i32
        %parallel_loop3A_164 = arith.addi %multiple_of3A_150, %parallel_loop3A_163 : i32
        %parallel_loop3A_165 = arith.index_cast %parallel_loop3A_164 : i32 to index
        %parallel_loop3A_166 = tpu.vector_load %arg9[%parallel_loop3A_165] {strides = array<i32>} : memref<100352xf32, #tpu.memory_space<vmem>>, vector<16xf32>,
        %parallel_loop3A_167 = arith.constant 16 : i32
        %parallel_loop3A_168 = arith.muli %parallel_loop3A_161, %parallel_loop3A_167 : i32
        %parallel_loop3A_169 = arith.index_cast %parallel_loop3A_168 : i32 to index
        %parallel_loop3A_170 = tpu.vector_load %arg17[%parallel_loop3A_169] {strides = array<i32>} : memref<3136xf32, #tpu.memory_space<vmem>>, vector<16xf32>,
        %parallel_loop3A_171 = arith.divf %parallel_loop3A_166, %parallel_loop3A_170 : vector<16xf32>
        %parallel_loop3A_172 = arith.index_cast %parallel_loop3A_164 : i32 to index
        %parallel_loop3A_173 = tpu.vector_load %arg9[%parallel_loop3A_172] {strides = array<i32>} : memref<100352xf32, #tpu.memory_space<vmem>>, vector<16xf32>,
        tpu.vector_store %arg9[%parallel_loop3A_172], %parallel_loop3A_171 {strides = array<i32>} : memref<100352xf32, #tpu.memory_space<vmem>>, vector<16xf32>,
      } {sc.loop_unroll_factor = 4 : i64, sc.parallel_access}
      %while3A_160 = arith.constant 0 : i32
      scf.yield %while3A_160 : i32
    }
    %while3A_124 = arith.constant 1 : i32
    %while3A_125 = scf.for %while3A_146 = %while3A_121 to %while3A_117 step %while3A_124 iter_args(%while3A_147 = %while3A_123) -> (i32)  : i32 {
      %mul3A_148 = arith.constant 3136 : i32
      %mul3A_149 = arith.muli %while3A_146, %mul3A_148 : i32
      %multiple_of3A_150 = tpu.assume_multiple %mul3A_149, 8 : i32
      "tpu.region"() ({
        %run_scoped3A = tpu.sem_alloc : memref<!tpu.dma_semaphore, #tpu.memory_space<semaphore_mem>>
        %dma_start3A_161 = tpu.memref_slice %arg9[%multiple_of3A_150] : memref<100352xf32, #tpu.memory_space<vmem>> -> memref<3136xf32, #tpu.memory_space<vmem>>
        %dma_start3A_162 = tpu.memref_slice %arg5[%multiple_of3A_150] : memref<100352xf32, #tpu.memory_space<hbm>> -> memref<3136xf32, #tpu.memory_space<hbm>>
        %dma_start3A_163 = tpu.memref_slice %arg9[%multiple_of3A_150] : memref<100352xf32, #tpu.memory_space<vmem>> -> memref<3136xf32, #tpu.memory_space<vmem>>
        %dma_start3A_164 = tpu.memref_slice %arg5[%multiple_of3A_150] : memref<100352xf32, #tpu.memory_space<hbm>> -> memref<3136xf32, #tpu.memory_space<hbm>>
        tpu.enqueue_dma source(%dma_start3A_164 : memref<3136xf32, #tpu.memory_space<hbm>>) target(%dma_start3A_163 : memref<3136xf32, #tpu.memory_space<vmem>>) target_semaphore(%run_scoped3A : memref<!tpu.dma_semaphore, #tpu.memory_space<semaphore_mem>>)
        %dma_wait3A_165 = tpu.memref_slice %arg9[%multiple_of3A_150] : memref<100352xf32, #tpu.memory_space<vmem>> -> memref<3136xf32, #tpu.memory_space<vmem>>
        %dma_wait3A_166 = tpu.memref_slice %arg5[%multiple_of3A_150] : memref<100352xf32, #tpu.memory_space<hbm>> -> memref<3136xf32, #tpu.memory_space<hbm>>
        %dma_wait3A_167 = tpu.memref_slice %arg9[%multiple_of3A_150] : memref<100352xf32, #tpu.memory_space<vmem>> -> memref<3136xf32, #tpu.memory_space<vmem>>
        %dma_wait3A_168 = tpu.memref_slice %arg5[%multiple_of3A_150] : memref<100352xf32, #tpu.memory_space<hbm>> -> memref<3136xf32, #tpu.memory_space<hbm>>
        tpu.wait_dma2 semaphore(%run_scoped3A : memref<!tpu.dma_semaphore, #tpu.memory_space<semaphore_mem>>) src(%dma_wait3A_168 : memref<3136xf32, #tpu.memory_space<hbm>>) dst(%dma_wait3A_167 : memref<3136xf32, #tpu.memory_space<vmem>>)
        tpu.yield
      }) : () -> ()
      %scan3A_151 = arith.constant 0 : i32
      %scan3A_152 = arith.constant 0 : i32
      %scan3A_153 = arith.constant 32 : i32
      %scan3A_154 = arith.addi %scan3A_152, %scan3A_153 : i32
      %scan3A_155 = arith.constant 1 : i32
      %scan3A_156 = scf.for %scan3A_161 = %scan3A_152 to %scan3A_154 step %scan3A_155 iter_args(%scan3A_162 = %scan3A_151) -> (i32)  : i32 {
        %mul3A_163 = arith.constant 16 : i32
        %mul3A_164 = arith.muli %scan3A_161, %mul3A_163 : i32
        %multiple_of3A_165 = tpu.assume_multiple %mul3A_164, 8 : i32
        %get3A_166 = arith.index_cast %multiple_of3A_165 : i32 to index
        %get3A_167 = tpu.vector_load %arg18[%get3A_166] {strides = array<i32>} : memref<512xi32, #tpu.memory_space<vmem>>, vector<16xi32>,
        %eq3A_168 = arith.constant 0 : i32
        %eq3A_169 = vector.broadcast %eq3A_168 : i32 to vector<16xi32>
        %eq3A_170 = arith.cmpi eq, %iota3A, %eq3A_169 : vector<16xi32>
        %jit3A_171 = arith.constant 2147483647 : i32
        %broadcast_in_dim3A_172 = vector.broadcast %jit3A_171 : i32 to vector<16xi32>
        %select_n3A_173 = arith.select %eq3A_170, %get3A_167, %broadcast_in_dim3A_172 : vector<16xi1>, vector<16xi32>
        %reduce_min3A_174 = arith.constant true
        %reduce_min3A_175 = vector.broadcast %reduce_min3A_174 : i1 to vector<16xi1>
        %reduce_min3A_176 = arith.constant -2147483648 : i32
        %reduce_min3A_177 = vector.broadcast %reduce_min3A_176 : i32 to vector<16xi32>
        %reduce_min3A_178 = arith.xori %select_n3A_173, %reduce_min3A_177 : vector<16xi32>
        %reduce_min3A_179 = tpu.scan <min>, %reduce_min3A_178 masked %reduce_min3A_175 : vector<16xi32>, vector<16xi1> -> vector<16xi32>
        %reduce_min3A_180 = arith.xori %reduce_min3A_179, %reduce_min3A_177 : vector<16xi32>
        %reduce_min3A_181 = vector.extract %reduce_min3A_180[15] : i32 from vector<16xi32>
        %eq3A_182 = arith.constant 1 : i32
        %eq3A_183 = vector.broadcast %eq3A_182 : i32 to vector<16xi32>
        %eq3A_184 = arith.cmpi eq, %iota3A, %eq3A_183 : vector<16xi32>
        %jit3A_185 = arith.constant 2147483647 : i32
        %broadcast_in_dim3A_186 = vector.broadcast %jit3A_185 : i32 to vector<16xi32>
        %select_n3A_187 = arith.select %eq3A_184, %get3A_167, %broadcast_in_dim3A_186 : vector<16xi1>, vector<16xi32>
        %reduce_min3A_188 = arith.constant true
        %reduce_min3A_189 = vector.broadcast %reduce_min3A_188 : i1 to vector<16xi1>
        %reduce_min3A_190 = arith.constant -2147483648 : i32
        %reduce_min3A_191 = vector.broadcast %reduce_min3A_190 : i32 to vector<16xi32>
        %reduce_min3A_192 = arith.xori %select_n3A_187, %reduce_min3A_191 : vector<16xi32>
        %reduce_min3A_193 = tpu.scan <min>, %reduce_min3A_192 masked %reduce_min3A_189 : vector<16xi32>, vector<16xi1> -> vector<16xi32>
        %reduce_min3A_194 = arith.xori %reduce_min3A_193, %reduce_min3A_191 : vector<16xi32>
        %reduce_min3A_195 = vector.extract %reduce_min3A_194[15] : i32 from vector<16xi32>
        %le3A = arith.cmpi sle, %reduce_min3A_181, %while3A_146 : i32
        %le3A_196 = arith.cmpi sle, %while3A_146, %reduce_min3A_195 : i32
        %and3A_197 = arith.andi %le3A, %le3A_196 : i1
        %convert_element_type3A = arith.extui %and3A_197 : i1 to i32
        %cond3A = arith.constant 0 : i32
        %cond3A_198 = arith.cmpi ne, %convert_element_type3A, %cond3A : i32
        scf.if %cond3A_198 {
          %mul3A_200 = arith.constant 100352 : i32
          %mul3A_201 = arith.muli %scan3A_161, %mul3A_200 : i32
          %mul3A_202 = arith.constant 3136 : i32
          %mul3A_203 = arith.muli %while3A_146, %mul3A_202 : i32
          %add3A_204 = arith.addi %mul3A_201, %mul3A_203 : i32
          %multiple_of3A_205 = tpu.assume_multiple %add3A_204, 8 : i32
          "tpu.region"() ({
            %run_scoped3A = tpu.sem_alloc : memref<!tpu.dma_semaphore, #tpu.memory_space<semaphore_mem>>
            %dma_start3A_209 = tpu.memref_slice %arg4[%multiple_of3A_205] : memref<3211264xf32, #tpu.memory_space<hbm>> -> memref<3136xf32, #tpu.memory_space<hbm>>
            %dma_start3A_210 = tpu.memref_slice %arg4[%multiple_of3A_205] : memref<3211264xf32, #tpu.memory_space<hbm>> -> memref<3136xf32, #tpu.memory_space<hbm>>
            tpu.enqueue_dma source(%dma_start3A_210 : memref<3136xf32, #tpu.memory_space<hbm>>) target(%arg17 : memref<3136xf32, #tpu.memory_space<vmem>>) target_semaphore(%run_scoped3A : memref<!tpu.dma_semaphore, #tpu.memory_space<semaphore_mem>>)
            %dma_wait3A_211 = tpu.memref_slice %arg4[%multiple_of3A_205] : memref<3211264xf32, #tpu.memory_space<hbm>> -> memref<3136xf32, #tpu.memory_space<hbm>>
            %dma_wait3A_212 = tpu.memref_slice %arg4[%multiple_of3A_205] : memref<3211264xf32, #tpu.memory_space<hbm>> -> memref<3136xf32, #tpu.memory_space<hbm>>
            tpu.wait_dma2 semaphore(%run_scoped3A : memref<!tpu.dma_semaphore, #tpu.memory_space<semaphore_mem>>) src(%dma_wait3A_212 : memref<3136xf32, #tpu.memory_space<hbm>>) dst(%arg17 : memref<3136xf32, #tpu.memory_space<vmem>>)
            tpu.yield
          }) : () -> ()
          %parallel_loop3A_206 = arith.constant 0 : i32
          %parallel_loop3A_207 = arith.constant 196 : i32
          %parallel_loop3A_208 = arith.constant 1 : i32
          scf.for %parallel_loop3A_209 = %parallel_loop3A_206 to %parallel_loop3A_207 step %parallel_loop3A_208  : i32 {
            %parallel_loop3A_210 = arith.constant 16 : i32
            %parallel_loop3A_211 = arith.muli %parallel_loop3A_209, %parallel_loop3A_210 : i32
            %parallel_loop3A_212 = arith.addi %multiple_of3A_150, %parallel_loop3A_211 : i32
            %parallel_loop3A_213 = arith.index_cast %parallel_loop3A_212 : i32 to index
            %parallel_loop3A_214 = tpu.vector_load %arg9[%parallel_loop3A_213] {strides = array<i32>} : memref<100352xf32, #tpu.memory_space<vmem>>, vector<16xf32>,
            %parallel_loop3A_215 = arith.constant 16 : i32
            %parallel_loop3A_216 = arith.muli %parallel_loop3A_209, %parallel_loop3A_215 : i32
            %parallel_loop3A_217 = arith.index_cast %parallel_loop3A_216 : i32 to index
            %parallel_loop3A_218 = tpu.vector_load %arg17[%parallel_loop3A_217] {strides = array<i32>} : memref<3136xf32, #tpu.memory_space<vmem>>, vector<16xf32>,
            %parallel_loop3A_219 = arith.subf %parallel_loop3A_214, %parallel_loop3A_218 : vector<16xf32>
            %parallel_loop3A_220 = arith.index_cast %parallel_loop3A_212 : i32 to index
            %parallel_loop3A_221 = tpu.vector_load %arg9[%parallel_loop3A_220] {strides = array<i32>} : memref<100352xf32, #tpu.memory_space<vmem>>, vector<16xf32>,
            tpu.vector_store %arg9[%parallel_loop3A_220], %parallel_loop3A_219 {strides = array<i32>} : memref<100352xf32, #tpu.memory_space<vmem>>, vector<16xf32>,
          } {sc.loop_unroll_factor = 4 : i64, sc.parallel_access}
        } else {
        }
        %scan3A_199 = arith.constant 0 : i32
        scf.yield %scan3A_199 : i32
      }
      %scan3A_157 = arith.constant 32 : i32
      "tpu.region"() ({
        %run_scoped3A = tpu.sem_alloc : memref<!tpu.dma_semaphore, #tpu.memory_space<semaphore_mem>>
        %dma_start3A_161 = tpu.memref_slice %arg6[%multiple_of3A_150] : memref<100352xf32, #tpu.memory_space<hbm>> -> memref<3136xf32, #tpu.memory_space<hbm>>
        %dma_start3A_162 = tpu.memref_slice %arg6[%multiple_of3A_150] : memref<100352xf32, #tpu.memory_space<hbm>> -> memref<3136xf32, #tpu.memory_space<hbm>>
        tpu.enqueue_dma source(%dma_start3A_162 : memref<3136xf32, #tpu.memory_space<hbm>>) target(%arg17 : memref<3136xf32, #tpu.memory_space<vmem>>) target_semaphore(%run_scoped3A : memref<!tpu.dma_semaphore, #tpu.memory_space<semaphore_mem>>)
        %dma_wait3A_163 = tpu.memref_slice %arg6[%multiple_of3A_150] : memref<100352xf32, #tpu.memory_space<hbm>> -> memref<3136xf32, #tpu.memory_space<hbm>>
        %dma_wait3A_164 = tpu.memref_slice %arg6[%multiple_of3A_150] : memref<100352xf32, #tpu.memory_space<hbm>> -> memref<3136xf32, #tpu.memory_space<hbm>>
        tpu.wait_dma2 semaphore(%run_scoped3A : memref<!tpu.dma_semaphore, #tpu.memory_space<semaphore_mem>>) src(%dma_wait3A_164 : memref<3136xf32, #tpu.memory_space<hbm>>) dst(%arg17 : memref<3136xf32, #tpu.memory_space<vmem>>)
        tpu.yield
      }) : () -> ()
      %parallel_loop3A = arith.constant 0 : i32
      %parallel_loop3A_158 = arith.constant 196 : i32
      %parallel_loop3A_159 = arith.constant 1 : i32
      scf.for %parallel_loop3A_161 = %parallel_loop3A to %parallel_loop3A_158 step %parallel_loop3A_159  : i32 {
        %parallel_loop3A_162 = arith.constant 16 : i32
        %parallel_loop3A_163 = arith.muli %parallel_loop3A_161, %parallel_loop3A_162 : i32
        %parallel_loop3A_164 = arith.addi %multiple_of3A_150, %parallel_loop3A_163 : i32
        %parallel_loop3A_165 = arith.index_cast %parallel_loop3A_164 : i32 to index
        %parallel_loop3A_166 = tpu.vector_load %arg9[%parallel_loop3A_165] {strides = array<i32>} : memref<100352xf32, #tpu.memory_space<vmem>>, vector<16xf32>,
        %parallel_loop3A_167 = arith.constant 16 : i32
        %parallel_loop3A_168 = arith.muli %parallel_loop3A_161, %parallel_loop3A_167 : i32
        %parallel_loop3A_169 = arith.index_cast %parallel_loop3A_168 : i32 to index
        %parallel_loop3A_170 = tpu.vector_load %arg17[%parallel_loop3A_169] {strides = array<i32>} : memref<3136xf32, #tpu.memory_space<vmem>>, vector<16xf32>,
        %parallel_loop3A_171 = arith.divf %parallel_loop3A_166, %parallel_loop3A_170 : vector<16xf32>
        %parallel_loop3A_172 = arith.index_cast %parallel_loop3A_164 : i32 to index
        %parallel_loop3A_173 = tpu.vector_load %arg9[%parallel_loop3A_172] {strides = array<i32>} : memref<100352xf32, #tpu.memory_space<vmem>>, vector<16xf32>,
        tpu.vector_store %arg9[%parallel_loop3A_172], %parallel_loop3A_171 {strides = array<i32>} : memref<100352xf32, #tpu.memory_space<vmem>>, vector<16xf32>,
      } {sc.loop_unroll_factor = 4 : i64, sc.parallel_access}
      %while3A_160 = arith.constant 0 : i32
      scf.yield %while3A_160 : i32
    }
    %scan3A = arith.constant 0 : i32
    %scan3A_126 = arith.constant 0 : i32
    %scan3A_127 = arith.constant 25 : i32
    %scan3A_128 = arith.addi %scan3A_126, %scan3A_127 : i32
    %scan3A_129 = arith.constant 1 : i32
    %scan3A_130 = scf.for %scan3A_146 = %scan3A_126 to %scan3A_128 step %scan3A_129 iter_args(%scan3A_147 = %scan3A) -> (i32)  : i32 {
      %mul3A_148 = arith.constant 2 : i32
      %mul3A_149 = arith.muli %mul3A_148, %scan3A_146 : i32
      %add3A_150 = arith.constant 0 : i32
      %add3A_151 = arith.addi %mul3A_149, %add3A_150 : i32
      %add3A_152 = arith.constant 1 : i32
      %add3A_153 = arith.addi %add3A_151, %add3A_152 : i32
      %lt3A = arith.constant 50 : i32
      %lt3A_154 = arith.cmpi slt, %add3A_153, %lt3A : i32
      %convert_element_type3A = arith.extui %lt3A_154 : i1 to i32
      %cond3A = arith.constant 0 : i32
      %cond3A_155 = arith.cmpi ne, %convert_element_type3A, %cond3A : i32
      scf.if %cond3A_155 {
        %add3A_230 = arith.constant 1 : i32
        %add3A_231 = arith.addi %add3A_151, %add3A_230 : i32
        %mul3A_232 = arith.constant 200000 : i32
        %mul3A_233 = arith.muli %add3A, %mul3A_232 : i32
        %mul3A_234 = arith.constant 4000 : i32
        %mul3A_235 = arith.muli %add3A_231, %mul3A_234 : i32
        %add3A_236 = arith.addi %mul3A_233, %mul3A_235 : i32
        %multiple_of3A_237 = tpu.assume_multiple %add3A_236, 8 : i32
        %dma_start3A_238 = tpu.memref_slice %arg3[%multiple_of3A_237] : memref<6400000xi32, #tpu.memory_space<hbm>> -> memref<4000xi32, #tpu.memory_space<hbm>>
        %dma_start3A_239 = tpu.memref_slice %arg3[%multiple_of3A_237] : memref<6400000xi32, #tpu.memory_space<hbm>> -> memref<4000xi32, #tpu.memory_space<hbm>>
        tpu.enqueue_dma source(%dma_start3A_239 : memref<4000xi32, #tpu.memory_space<hbm>>) target(%arg11 : memref<4000xi32, #tpu.memory_space<vmem>>) target_semaphore(%arg20 : memref<!tpu.dma_semaphore, #tpu.memory_space<semaphore_mem>>)
        %mul3A_240 = arith.constant 200000 : i32
        %mul3A_241 = arith.muli %add3A, %mul3A_240 : i32
        %mul3A_242 = arith.constant 4000 : i32
        %mul3A_243 = arith.muli %add3A_231, %mul3A_242 : i32
        %add3A_244 = arith.addi %mul3A_241, %mul3A_243 : i32
        %multiple_of3A_245 = tpu.assume_multiple %add3A_244, 8 : i32
        %dma_start3A_246 = tpu.memref_slice %arg2[%multiple_of3A_245] : memref<6400000xf32, #tpu.memory_space<hbm>> -> memref<4000xf32, #tpu.memory_space<hbm>>
        %dma_start3A_247 = tpu.memref_slice %arg2[%multiple_of3A_245] : memref<6400000xf32, #tpu.memory_space<hbm>> -> memref<4000xf32, #tpu.memory_space<hbm>>
        tpu.enqueue_dma source(%dma_start3A_247 : memref<4000xf32, #tpu.memory_space<hbm>>) target(%arg13 : memref<4000xf32, #tpu.memory_space<vmem>>) target_semaphore(%arg22 : memref<!tpu.dma_semaphore, #tpu.memory_space<semaphore_mem>>)
      } else {
      }
      %mul3A_156 = arith.constant 200000 : i32
      %mul3A_157 = arith.muli %add3A, %mul3A_156 : i32
      %mul3A_158 = arith.constant 4000 : i32
      %mul3A_159 = arith.muli %add3A_151, %mul3A_158 : i32
      %add3A_160 = arith.addi %mul3A_157, %mul3A_159 : i32
      %multiple_of3A_161 = tpu.assume_multiple %add3A_160, 8 : i32
      %dma_wait3A_162 = tpu.memref_slice %arg3[%multiple_of3A_161] : memref<6400000xi32, #tpu.memory_space<hbm>> -> memref<4000xi32, #tpu.memory_space<hbm>>
      %dma_wait3A_163 = tpu.memref_slice %arg3[%multiple_of3A_161] : memref<6400000xi32, #tpu.memory_space<hbm>> -> memref<4000xi32, #tpu.memory_space<hbm>>
      tpu.wait_dma2 semaphore(%arg19 : memref<!tpu.dma_semaphore, #tpu.memory_space<semaphore_mem>>) src(%dma_wait3A_163 : memref<4000xi32, #tpu.memory_space<hbm>>) dst(%arg10 : memref<4000xi32, #tpu.memory_space<vmem>>)
      %mul3A_164 = arith.constant 200000 : i32
      %mul3A_165 = arith.muli %add3A, %mul3A_164 : i32
      %mul3A_166 = arith.constant 4000 : i32
      %mul3A_167 = arith.muli %add3A_151, %mul3A_166 : i32
      %add3A_168 = arith.addi %mul3A_165, %mul3A_167 : i32
      %multiple_of3A_169 = tpu.assume_multiple %add3A_168, 8 : i32
      %dma_wait3A_170 = tpu.memref_slice %arg2[%multiple_of3A_169] : memref<6400000xf32, #tpu.memory_space<hbm>> -> memref<4000xf32, #tpu.memory_space<hbm>>
      %dma_wait3A_171 = tpu.memref_slice %arg2[%multiple_of3A_169] : memref<6400000xf32, #tpu.memory_space<hbm>> -> memref<4000xf32, #tpu.memory_space<hbm>>
      tpu.wait_dma2 semaphore(%arg21 : memref<!tpu.dma_semaphore, #tpu.memory_space<semaphore_mem>>) src(%dma_wait3A_171 : memref<4000xf32, #tpu.memory_space<hbm>>) dst(%arg12 : memref<4000xf32, #tpu.memory_space<vmem>>)
      %ge3A = arith.constant 2 : i32
      %ge3A_172 = arith.cmpi sge, %add3A_151, %ge3A : i32
      %convert_element_type3A_173 = arith.extui %ge3A_172 : i1 to i32
      %cond3A_174 = arith.constant 0 : i32
      %cond3A_175 = arith.cmpi ne, %convert_element_type3A_173, %cond3A_174 : i32
      scf.if %cond3A_175 {
        %sub3A_230 = arith.constant 2 : i32
        %sub3A_231 = arith.subi %add3A_151, %sub3A_230 : i32
        %mul3A_232 = arith.constant 200000 : i32
        %mul3A_233 = arith.muli %add3A, %mul3A_232 : i32
        %mul3A_234 = arith.constant 4000 : i32
        %mul3A_235 = arith.muli %sub3A_231, %mul3A_234 : i32
        %add3A_236 = arith.addi %mul3A_233, %mul3A_235 : i32
        %multiple_of3A_237 = tpu.assume_multiple %add3A_236, 8 : i32
        %dma_wait3A_238 = tpu.memref_slice %arg8[%multiple_of3A_237] : memref<6400000xf32, #tpu.memory_space<hbm>> -> memref<4000xf32, #tpu.memory_space<hbm>>
        %dma_wait3A_239 = tpu.memref_slice %arg8[%multiple_of3A_237] : memref<6400000xf32, #tpu.memory_space<hbm>> -> memref<4000xf32, #tpu.memory_space<hbm>>
        tpu.wait_dma2 semaphore(%arg23 : memref<!tpu.dma_semaphore, #tpu.memory_space<semaphore_mem>>) src(%arg14 : memref<4000xf32, #tpu.memory_space<vmem>>) dst(%dma_wait3A_239 : memref<4000xf32, #tpu.memory_space<hbm>>)
      } else {
      }
      %parallel_loop3A = arith.constant 0 : i32
      %parallel_loop3A_176 = arith.constant 250 : i32
      %parallel_loop3A_177 = arith.constant 1 : i32
      scf.for %parallel_loop3A_230 = %parallel_loop3A to %parallel_loop3A_176 step %parallel_loop3A_177  : i32 {
        %parallel_loop3A_231 = arith.constant 16 : i32
        %parallel_loop3A_232 = arith.muli %parallel_loop3A_230, %parallel_loop3A_231 : i32
        %parallel_loop3A_233 = arith.index_cast %parallel_loop3A_232 : i32 to index
        %parallel_loop3A_234 = tpu.vector_load %arg10[%parallel_loop3A_233] {strides = array<i32>} : memref<4000xi32, #tpu.memory_space<vmem>>, vector<16xi32>,
        %parallel_loop3A_235 = arith.index_cast %parallel_loop3A_232 : i32 to index
        %parallel_loop3A_236 = tpu.vector_load %arg12[%parallel_loop3A_235] {strides = array<i32>} : memref<4000xf32, #tpu.memory_space<vmem>>, vector<16xf32>,
        %parallel_loop3A_237 = tpu.vector_load_idx %arg9[%parallel_loop3A_234] : memref<100352xf32, #tpu.memory_space<vmem>>[vector<16xi32>], vector<16xf32>,
        %parallel_loop3A_238 = arith.addf %parallel_loop3A_236, %parallel_loop3A_237 : vector<16xf32>
        %parallel_loop3A_239 = arith.index_cast %parallel_loop3A_232 : i32 to index
        %parallel_loop3A_240 = tpu.vector_load %arg14[%parallel_loop3A_239] {strides = array<i32>} : memref<4000xf32, #tpu.memory_space<vmem>>, vector<16xf32>,
        tpu.vector_store %arg14[%parallel_loop3A_239], %parallel_loop3A_238 {strides = array<i32>} : memref<4000xf32, #tpu.memory_space<vmem>>, vector<16xf32>,
      } {sc.loop_unroll_factor = 4 : i64, sc.parallel_access}
      %mul3A_178 = arith.constant 200000 : i32
      %mul3A_179 = arith.muli %add3A, %mul3A_178 : i32
      %mul3A_180 = arith.constant 4000 : i32
      %mul3A_181 = arith.muli %add3A_151, %mul3A_180 : i32
      %add3A_182 = arith.addi %mul3A_179, %mul3A_181 : i32
      %multiple_of3A_183 = tpu.assume_multiple %add3A_182, 8 : i32
      %dma_start3A_184 = tpu.memref_slice %arg8[%multiple_of3A_183] : memref<6400000xf32, #tpu.memory_space<hbm>> -> memref<4000xf32, #tpu.memory_space<hbm>>
      %dma_start3A_185 = tpu.memref_slice %arg8[%multiple_of3A_183] : memref<6400000xf32, #tpu.memory_space<hbm>> -> memref<4000xf32, #tpu.memory_space<hbm>>
      tpu.enqueue_dma source(%arg14 : memref<4000xf32, #tpu.memory_space<vmem>>) target(%dma_start3A_185 : memref<4000xf32, #tpu.memory_space<hbm>>) target_semaphore(%arg23 : memref<!tpu.dma_semaphore, #tpu.memory_space<semaphore_mem>>)
      %mul3A_186 = arith.constant 2 : i32
      %mul3A_187 = arith.muli %mul3A_186, %scan3A_146 : i32
      %add3A_188 = arith.constant 1 : i32
      %add3A_189 = arith.addi %mul3A_187, %add3A_188 : i32
      %add3A_190 = arith.constant 1 : i32
      %add3A_191 = arith.addi %add3A_189, %add3A_190 : i32
      %lt3A_192 = arith.constant 50 : i32
      %lt3A_193 = arith.cmpi slt, %add3A_191, %lt3A_192 : i32
      %convert_element_type3A_194 = arith.extui %lt3A_193 : i1 to i32
      %cond3A_195 = arith.constant 0 : i32
      %cond3A_196 = arith.cmpi ne, %convert_element_type3A_194, %cond3A_195 : i32
      scf.if %cond3A_196 {
        %add3A_230 = arith.constant 1 : i32
        %add3A_231 = arith.addi %add3A_189, %add3A_230 : i32
        %mul3A_232 = arith.constant 200000 : i32
        %mul3A_233 = arith.muli %add3A, %mul3A_232 : i32
        %mul3A_234 = arith.constant 4000 : i32
        %mul3A_235 = arith.muli %add3A_231, %mul3A_234 : i32
        %add3A_236 = arith.addi %mul3A_233, %mul3A_235 : i32
        %multiple_of3A_237 = tpu.assume_multiple %add3A_236, 8 : i32
        %dma_start3A_238 = tpu.memref_slice %arg3[%multiple_of3A_237] : memref<6400000xi32, #tpu.memory_space<hbm>> -> memref<4000xi32, #tpu.memory_space<hbm>>
        %dma_start3A_239 = tpu.memref_slice %arg3[%multiple_of3A_237] : memref<6400000xi32, #tpu.memory_space<hbm>> -> memref<4000xi32, #tpu.memory_space<hbm>>
        tpu.enqueue_dma source(%dma_start3A_239 : memref<4000xi32, #tpu.memory_space<hbm>>) target(%arg10 : memref<4000xi32, #tpu.memory_space<vmem>>) target_semaphore(%arg19 : memref<!tpu.dma_semaphore, #tpu.memory_space<semaphore_mem>>)
        %mul3A_240 = arith.constant 200000 : i32
        %mul3A_241 = arith.muli %add3A, %mul3A_240 : i32
        %mul3A_242 = arith.constant 4000 : i32
        %mul3A_243 = arith.muli %add3A_231, %mul3A_242 : i32
        %add3A_244 = arith.addi %mul3A_241, %mul3A_243 : i32
        %multiple_of3A_245 = tpu.assume_multiple %add3A_244, 8 : i32
        %dma_start3A_246 = tpu.memref_slice %arg2[%multiple_of3A_245] : memref<6400000xf32, #tpu.memory_space<hbm>> -> memref<4000xf32, #tpu.memory_space<hbm>>
        %dma_start3A_247 = tpu.memref_slice %arg2[%multiple_of3A_245] : memref<6400000xf32, #tpu.memory_space<hbm>> -> memref<4000xf32, #tpu.memory_space<hbm>>
        tpu.enqueue_dma source(%dma_start3A_247 : memref<4000xf32, #tpu.memory_space<hbm>>) target(%arg12 : memref<4000xf32, #tpu.memory_space<vmem>>) target_semaphore(%arg21 : memref<!tpu.dma_semaphore, #tpu.memory_space<semaphore_mem>>)
      } else {
      }
      %mul3A_197 = arith.constant 200000 : i32
      %mul3A_198 = arith.muli %add3A, %mul3A_197 : i32
      %mul3A_199 = arith.constant 4000 : i32
      %mul3A_200 = arith.muli %add3A_189, %mul3A_199 : i32
      %add3A_201 = arith.addi %mul3A_198, %mul3A_200 : i32
      %multiple_of3A_202 = tpu.assume_multiple %add3A_201, 8 : i32
      %dma_wait3A_203 = tpu.memref_slice %arg3[%multiple_of3A_202] : memref<6400000xi32, #tpu.memory_space<hbm>> -> memref<4000xi32, #tpu.memory_space<hbm>>
      %dma_wait3A_204 = tpu.memref_slice %arg3[%multiple_of3A_202] : memref<6400000xi32, #tpu.memory_space<hbm>> -> memref<4000xi32, #tpu.memory_space<hbm>>
      tpu.wait_dma2 semaphore(%arg20 : memref<!tpu.dma_semaphore, #tpu.memory_space<semaphore_mem>>) src(%dma_wait3A_204 : memref<4000xi32, #tpu.memory_space<hbm>>) dst(%arg11 : memref<4000xi32, #tpu.memory_space<vmem>>)
      %mul3A_205 = arith.constant 200000 : i32
      %mul3A_206 = arith.muli %add3A, %mul3A_205 : i32
      %mul3A_207 = arith.constant 4000 : i32
      %mul3A_208 = arith.muli %add3A_189, %mul3A_207 : i32
      %add3A_209 = arith.addi %mul3A_206, %mul3A_208 : i32
      %multiple_of3A_210 = tpu.assume_multiple %add3A_209, 8 : i32
      %dma_wait3A_211 = tpu.memref_slice %arg2[%multiple_of3A_210] : memref<6400000xf32, #tpu.memory_space<hbm>> -> memref<4000xf32, #tpu.memory_space<hbm>>
      %dma_wait3A_212 = tpu.memref_slice %arg2[%multiple_of3A_210] : memref<6400000xf32, #tpu.memory_space<hbm>> -> memref<4000xf32, #tpu.memory_space<hbm>>
      tpu.wait_dma2 semaphore(%arg22 : memref<!tpu.dma_semaphore, #tpu.memory_space<semaphore_mem>>) src(%dma_wait3A_212 : memref<4000xf32, #tpu.memory_space<hbm>>) dst(%arg13 : memref<4000xf32, #tpu.memory_space<vmem>>)
      %ge3A_213 = arith.constant 2 : i32
      %ge3A_214 = arith.cmpi sge, %add3A_189, %ge3A_213 : i32
      %convert_element_type3A_215 = arith.extui %ge3A_214 : i1 to i32
      %cond3A_216 = arith.constant 0 : i32
      %cond3A_217 = arith.cmpi ne, %convert_element_type3A_215, %cond3A_216 : i32
      scf.if %cond3A_217 {
        %sub3A_230 = arith.constant 2 : i32
        %sub3A_231 = arith.subi %add3A_189, %sub3A_230 : i32
        %mul3A_232 = arith.constant 200000 : i32
        %mul3A_233 = arith.muli %add3A, %mul3A_232 : i32
        %mul3A_234 = arith.constant 4000 : i32
        %mul3A_235 = arith.muli %sub3A_231, %mul3A_234 : i32
        %add3A_236 = arith.addi %mul3A_233, %mul3A_235 : i32
        %multiple_of3A_237 = tpu.assume_multiple %add3A_236, 8 : i32
        %dma_wait3A_238 = tpu.memref_slice %arg8[%multiple_of3A_237] : memref<6400000xf32, #tpu.memory_space<hbm>> -> memref<4000xf32, #tpu.memory_space<hbm>>
        %dma_wait3A_239 = tpu.memref_slice %arg8[%multiple_of3A_237] : memref<6400000xf32, #tpu.memory_space<hbm>> -> memref<4000xf32, #tpu.memory_space<hbm>>
        tpu.wait_dma2 semaphore(%arg24 : memref<!tpu.dma_semaphore, #tpu.memory_space<semaphore_mem>>) src(%arg15 : memref<4000xf32, #tpu.memory_space<vmem>>) dst(%dma_wait3A_239 : memref<4000xf32, #tpu.memory_space<hbm>>)
      } else {
      }
      %parallel_loop3A_218 = arith.constant 0 : i32
      %parallel_loop3A_219 = arith.constant 250 : i32
      %parallel_loop3A_220 = arith.constant 1 : i32
      scf.for %parallel_loop3A_230 = %parallel_loop3A_218 to %parallel_loop3A_219 step %parallel_loop3A_220  : i32 {
        %parallel_loop3A_231 = arith.constant 16 : i32
        %parallel_loop3A_232 = arith.muli %parallel_loop3A_230, %parallel_loop3A_231 : i32
        %parallel_loop3A_233 = arith.index_cast %parallel_loop3A_232 : i32 to index
        %parallel_loop3A_234 = tpu.vector_load %arg11[%parallel_loop3A_233] {strides = array<i32>} : memref<4000xi32, #tpu.memory_space<vmem>>, vector<16xi32>,
        %parallel_loop3A_235 = arith.index_cast %parallel_loop3A_232 : i32 to index
        %parallel_loop3A_236 = tpu.vector_load %arg13[%parallel_loop3A_235] {strides = array<i32>} : memref<4000xf32, #tpu.memory_space<vmem>>, vector<16xf32>,
        %parallel_loop3A_237 = tpu.vector_load_idx %arg9[%parallel_loop3A_234] : memref<100352xf32, #tpu.memory_space<vmem>>[vector<16xi32>], vector<16xf32>,
        %parallel_loop3A_238 = arith.addf %parallel_loop3A_236, %parallel_loop3A_237 : vector<16xf32>
        %parallel_loop3A_239 = arith.index_cast %parallel_loop3A_232 : i32 to index
        %parallel_loop3A_240 = tpu.vector_load %arg15[%parallel_loop3A_239] {strides = array<i32>} : memref<4000xf32, #tpu.memory_space<vmem>>, vector<16xf32>,
        tpu.vector_store %arg15[%parallel_loop3A_239], %parallel_loop3A_238 {strides = array<i32>} : memref<4000xf32, #tpu.memory_space<vmem>>, vector<16xf32>,
      } {sc.loop_unroll_factor = 4 : i64, sc.parallel_access}
      %mul3A_221 = arith.constant 200000 : i32
      %mul3A_222 = arith.muli %add3A, %mul3A_221 : i32
      %mul3A_223 = arith.constant 4000 : i32
      %mul3A_224 = arith.muli %add3A_189, %mul3A_223 : i32
      %add3A_225 = arith.addi %mul3A_222, %mul3A_224 : i32
      %multiple_of3A_226 = tpu.assume_multiple %add3A_225, 8 : i32
      %dma_start3A_227 = tpu.memref_slice %arg8[%multiple_of3A_226] : memref<6400000xf32, #tpu.memory_space<hbm>> -> memref<4000xf32, #tpu.memory_space<hbm>>
      %dma_start3A_228 = tpu.memref_slice %arg8[%multiple_of3A_226] : memref<6400000xf32, #tpu.memory_space<hbm>> -> memref<4000xf32, #tpu.memory_space<hbm>>
      tpu.enqueue_dma source(%arg15 : memref<4000xf32, #tpu.memory_space<vmem>>) target(%dma_start3A_228 : memref<4000xf32, #tpu.memory_space<hbm>>) target_semaphore(%arg24 : memref<!tpu.dma_semaphore, #tpu.memory_space<semaphore_mem>>)
      %scan3A_229 = arith.constant 0 : i32
      scf.yield %scan3A_229 : i32
    }
    %scan3A_131 = arith.constant 25 : i32
    %mul3A_132 = arith.constant 200000 : i32
    %mul3A_133 = arith.muli %add3A, %mul3A_132 : i32
    %add3A_134 = arith.constant 192000 : i32
    %add3A_135 = arith.addi %mul3A_133, %add3A_134 : i32
    %multiple_of3A_136 = tpu.assume_multiple %add3A_135, 8 : i32
    %dma_wait3A_137 = tpu.memref_slice %arg8[%multiple_of3A_136] : memref<6400000xf32, #tpu.memory_space<hbm>> -> memref<4000xf32, #tpu.memory_space<hbm>>
    %dma_wait3A_138 = tpu.memref_slice %arg8[%multiple_of3A_136] : memref<6400000xf32, #tpu.memory_space<hbm>> -> memref<4000xf32, #tpu.memory_space<hbm>>
    tpu.wait_dma2 semaphore(%arg23 : memref<!tpu.dma_semaphore, #tpu.memory_space<semaphore_mem>>) src(%arg14 : memref<4000xf32, #tpu.memory_space<vmem>>) dst(%dma_wait3A_138 : memref<4000xf32, #tpu.memory_space<hbm>>)
    %mul3A_139 = arith.constant 200000 : i32
    %mul3A_140 = arith.muli %add3A, %mul3A_139 : i32
    %add3A_141 = arith.constant 196000 : i32
    %add3A_142 = arith.addi %mul3A_140, %add3A_141 : i32
    %multiple_of3A_143 = tpu.assume_multiple %add3A_142, 8 : i32
    %dma_wait3A_144 = tpu.memref_slice %arg8[%multiple_of3A_143] : memref<6400000xf32, #tpu.memory_space<hbm>> -> memref<4000xf32, #tpu.memory_space<hbm>>
    %dma_wait3A_145 = tpu.memref_slice %arg8[%multiple_of3A_143] : memref<6400000xf32, #tpu.memory_space<hbm>> -> memref<4000xf32, #tpu.memory_space<hbm>>
    tpu.wait_dma2 semaphore(%arg24 : memref<!tpu.dma_semaphore, #tpu.memory_space<semaphore_mem>>) src(%arg15 : memref<4000xf32, #tpu.memory_space<vmem>>) dst(%dma_wait3A_145 : memref<4000xf32, #tpu.memory_space<hbm>>)
    return
  }
}

</mosaic_0001>

<sc_bundles>
// kernel: kernel.4.cloned.1.call-start
scs
__scs_entry_jumppad:
0x0: {  	(pc) =	sbr.rel $0x88, $3  }
0x1: {  	(tag) =	ssettag $0x0;
	lr =	simm.s32 $0x1  }
0x2: {  	[smem:$0x3F9D] =	sst lr;
	_ =	strace $0xD0000000  }
0x3: {  	_ = 	snop  }
0x4: {  	_ = 	snop  }
0x5: {  	_ = 	snop  }
0x6: {  	_ = 	snop  }
0x7: {  	_ = 	snop  }
__scs_overlays_trampoline_lowered:
0x8: {  	[smem:$0x3FAC] =	sst s0  }
0x9: {  	[smem:$0x3FAD] =	sst s1  }
0xa: {  	[smem:$0x3FAE] =	sst s2  }
0xb: {  	[smem:$0x3FAF] =	sst s3  }
0xc: {  	[smem:$0x3FB0] =	sst s4  }
0xd: {  	[smem:$0x3FB1] =	sst s5  }
0xe: {  	[smem:$0x3FB2] =	sst s6  }
0xf: {  	[smem:$0x3FB3] =	sst s7  }
0x10: {  	[smem:$0x3FB4] =	sst s8  }
0x11: {  	[smem:$0x3FB5] =	sst s9;
	s0 =	simm.s32 @!p0 $0x0  }
0x12: {  	s1 =	sld [smem:$0x3F9B];
	s0 =	simm.s32 @p0 $0x1  }
0x13: {  	[smem:$0x3FB6] =	sst s0;
	s0 =	simm.s32 @!p1 $0x0  }
0x14: {  	s2 =	sld [smem:$0x3F9A];
	s0 =	simm.s32 @p1 $0x1  }
0x15: {  	[smem:$0x3FB7] =	sst s0;
	s0 =	simm.s32 @!p2 $0x0  }
0x16: {  	s3 =	sld [smem:$0x3FDB];
	s0 =	simm.s32 @p2 $0x1  }
0x17: {  	s4 =	simm.s32 $0x1BF5;
	[smem:$0x3FB9] =	sst s0  }
0x18: {  	s0 =	sld [smem:$0x3F9C];
	_ =	swait.ge [sflag:s4], $0x0  }
0x19: {  	s7 =	sld [smem:$0x3F9D]  }
0x1a: {  	s8 =	sadd.s32 $0xFFFFE003, lr  }
0x1b: {  	s9 =	sadd.s32 $0xFFFFFEF7, lr;
	s5 =	simm.s32 $0xFFFFFFFF;
	p2 =	slt.u32 s8, $0xFFFFF086  }
0x1c: {  	p1 =	slt.u32 s9, $0xF7A;
	s5 =	simm.s32 @!p2 $0x0  }
0x1d: {  	s5 =	simm.s32 @p1 $0x1;
	p0 =	seq.s32 s7, s2  }
0x1e: {  	s7 =	smul.u32 @!p0 $0xF7A, s2;
	p2 =	seq.s32 @!p0 s5, $0x0  }
0x1f: {  	s9 =	smul.u32 $0xF7A, s1;
	s8 =	simm.s32 @!p0 $0x1BF5;
	p2 =	por !p2, p0  }
0x20: {  	[sflag:s8] =	ssyncset.s32 @!p0 $0xFFFFF086;
	s6 =	sadd.s32 @!p0 s3, s7;
	s7 =	simm.s32 @!p0 $0x108  }
0x21: {  	s3 =	sadd.s32 s3, s9;
	s6 =	sadd.s32 @!p0 $0x88, s6;
	s7 =	simm.s32 @p2 $0x1082  }
0x22: {  	[simem:s7], [sflag:s8] =	dma.local @!p0 [hbm:s6], $0xF7A  }
0x23: {  	s9 =	sor.u32 $0xD0000000, s2;
	s6 =	simm.s32 $0x108;
	_ =	swait.ge @!p0 [sflag:s8], $0x0  }
0x24: {  	s3 =	sadd.s32 $0x88, s3;
	s6 =	simm.s32 @!p1 $0x1082;
	[sflag:s4] =	ssyncset.s32 $0xFFFFF086  }
0x25: {  	[simem:s6], [sflag:s4] =	dma.local [hbm:s3], $0xF7A  }
0x26: {  	[smem:$0x3F9D] =	sst s1;
	(tag) =	ssettag s2;
	_ =	strace s9  }
0x27: {  	s1 =	sld [smem:$0x3FAD]  }
0x28: {  	s2 =	sld [smem:$0x3FAE]  }
0x29: {  	s4 =	sld [smem:$0x3FB0]  }
0x2a: {  	p0 =	seq.s32 s5, $0x0;
	s5 =	sld [smem:$0x3FB1]  }
0x2b: {  	s6 =	sld [smem:$0x3FB2]  }
0x2c: {  	s7 =	sld [smem:$0x3FB3]  }
0x2d: {  	s3 =	simm.s32 $0x108;
	s8 =	sld [smem:$0x3FB4]  }
0x2e: {  	s3 =	simm.s32 @!p0 $0x1082;
	s9 =	sld [smem:$0x3FB5]  }
0x2f: {  	lr =	sadd.s32 s0, s3;
	s0 =	sld [smem:$0x3FAC]  }
0x30: {  	s3 =	sld [smem:$0x3FAF]  }
0x31: {  	[smem:$0x3FB8] =	sst s10  }
0x32: {  	s10 =	sld [smem:$0x3FB6];
	_ =	sdelay $0x3  }
0x33: {  	p0 =	seq.s32 s10, $0x1;
	s10 =	sld [smem:$0x3FB8];
	_ =	sdelay $0x3  }
0x34: {  	[smem:$0x3FB8] =	sst s10  }
0x35: {  	s10 =	sld [smem:$0x3FB7];
	_ =	sdelay $0x3  }
0x36: {  	p1 =	seq.s32 s10, $0x1;
	s10 =	sld [smem:$0x3FB8];
	_ =	sdelay $0x3  }
0x37: {  	[smem:$0x3FB8] =	sst s10  }
0x38: {  	s10 =	sld [smem:$0x3FB9]  }
0x39: {  	_ = 	snop;
	(pc) =	sbr.ind lr, $3  }
0x3a: {  	_ = 	snop  }
0x3b: {  	_ = 	snop  }
0x3c: {  	p2 =	seq.s32 s10, $0x1;
	s10 =	sld [smem:$0x3FB8]  }
0x3d: {  	_ =	shalt  }
0x3e: {  	_ =	shalt  }
0x3f: {  	_ =	shalt  }
0x40: {  	_ =	shalt  }
0x41: {  	_ =	shalt  }
0x42: {  	_ =	shalt  }
0x43: {  	_ =	shalt  }
0x44: {  	_ =	shalt  }
0x45: {  	_ =	shalt  }
0x46: {  	_ =	shalt  }
0x47: {  	_ =	shalt  }
0x48: {  	_ =	shalt  }
0x49: {  	_ =	shalt  }
0x4a: {  	_ =	shalt  }
0x4b: {  	_ =	shalt  }
0x4c: {  	_ =	shalt  }
0x4d: {  	_ =	shalt  }
0x4e: {  	_ =	shalt  }
0x4f: {  	_ =	shalt  }
0x50: {  	_ =	shalt  }
0x51: {  	_ =	shalt  }
0x52: {  	_ =	shalt  }
0x53: {  	_ =	shalt  }
0x54: {  	_ =	shalt  }
0x55: {  	_ =	shalt  }
0x56: {  	_ =	shalt  }
0x57: {  	_ =	shalt  }
0x58: {  	_ =	shalt  }
0x59: {  	_ =	shalt  }
0x5a: {  	_ =	shalt  }
0x5b: {  	_ =	shalt  }
0x5c: {  	_ =	shalt  }
0x5d: {  	_ =	shalt  }
0x5e: {  	_ =	shalt  }
0x5f: {  	_ =	shalt  }
0x60: {  	_ =	shalt  }
0x61: {  	_ =	shalt  }
0x62: {  	_ =	shalt  }
0x63: {  	_ =	shalt  }
0x64: {  	_ =	shalt  }
0x65: {  	_ =	shalt  }
0x66: {  	_ =	shalt  }
0x67: {  	_ =	shalt  }
0x68: {  	_ =	shalt  }
0x69: {  	_ =	shalt  }
0x6a: {  	_ =	shalt  }
0x6b: {  	_ =	shalt  }
0x6c: {  	_ =	shalt  }
0x6d: {  	_ =	shalt  }
0x6e: {  	_ =	shalt  }
0x6f: {  	_ =	shalt  }
0x70: {  	_ =	shalt  }
0x71: {  	_ =	shalt  }
0x72: {  	_ =	shalt  }
0x73: {  	_ =	shalt  }
0x74: {  	_ =	shalt  }
0x75: {  	_ =	shalt  }
0x76: {  	_ =	shalt  }
0x77: {  	_ =	shalt  }
0x78: {  	_ =	shalt  }
0x79: {  	_ =	shalt  }
0x7a: {  	_ =	shalt  }
0x7b: {  	_ =	shalt  }
0x7c: {  	_ =	shalt  }
0x7d: {  	_ =	shalt  }
0x7e: {  	_ =	shalt  }
0x7f: {  	_ =	shalt  }
0x80: {  	_ =	shalt  }
0x81: {  	_ =	shalt  }
0x82: {  	_ =	shalt  }
0x83: {  	_ =	shalt  }
0x84: {  	_ =	shalt  }
0x85: {  	_ =	shalt  }
0x86: {  	_ =	shalt  }
0x87: {  	_ =	shalt  }
.Lfunc_end0:
.L_simem_size_0:
called_computation_lowered:
.L_overlay_start_0:
0x88: {  	s2 =	sld [smem:$0x3FD9]  }
0x89: {  	s3 =	sld [smem:$0x3FFE];
	_ =	sdelay $0x1  }
0x8a: {  	s1 =	srdreg.scid  }
0x8b: {  	s0 =	sand.u32 $0x1, s1  }
0x8c: {  	s17 =	sshll.u32 s0, $0xA;
	s2 =	sadd.s32 s3, s2  }
0x8d: {  	s2 =	sadd.s32 s2, s17  }
0x8e: {  	[smem:$0x3FC4] =	sst s2  }
0x8f: {  	_ = 	snop  }
0x90: {  	s2 =	sld [smem:$0x3FC9]  }
0x91: {  	s18 =	sld [smem:$0x3FC8];
	(tm) =	ssettm $0x1  }
0x92: {  	s4 =	sld [smem:$0x3FFB];
	_ =	sdelay $0x3  }
0x93: {  	_ =	strace s4  }
0x94: {  	s4 =	sld [smem:$0x3FFC];
	_ =	sdelay $0x3  }
0x95: {  	_ =	strace s4  }
0x96: {  	s4 =	sld [smem:$0x3FFD];
	_ =	sdelay $0x3  }
0x97: {  	_ =	strace s4  }
0x98: {  	_ =	strace $0x8FFFFFFF  }
0x99: {  	s19 =	sld [smem:$0x3FDB];
	_ =	sdelay $0x1  }
0x9a: {  	s5 =	simm.s32 $_scs_section_size  }
0x9b: {  	s6 =	simm.s32 $_size__tile_overlayer_lowered;
	s7 =	simm.s32 $_tile_overlayer_lowered  }
0x9c: {  	s22 =	simm.s32 $0x1BFF;
	s21 =	sshll.u32 s7, $0x1;
	s4 =	sadd.s32 s5, s19  }
0x9d: {  	s8 =	simm.s32 $0x0;
	s20 =	sshll.u32 s6, $0x1;
	s6 =	sadd.s32 s21, s4  }
0x9e: {  	[timem:s8], [sflag:s22] =	dma.local [hbm:s6], s20  }
0x9f: {  	_ =	swait.ge [sflag:s22], s20  }
0xa0: {  	s5 =	ssub.s32 $0x0, s20;
	[sflag:s22] =	ssyncset.done $0x0  }
0xa1: {  	[sflag:s22] =	ssyncadd.s32 s5;
	_ =	sdelay $0x1  }
0xa2: {  	s23 =	simm.s32 $0x1B8B  }
0xa3: {  	_ =	swait.ge [sflag:s23], $0x1  }
0xa4: {  	[sflag:s23] =	ssyncset.done $0x0  }
0xa5: {  	s25 =	simm.s32 $0x1B8E;
	s24 =	sld [smem:$0x3FFE];
	[sflag:s23] =	ssyncadd.s32 $0xFFFFFFFF  }
0xa6: {  	s26 =	simm.s32 $execute0_lowered;
	[smem:$0x3FD2] =	sst s25  }
0xa7: {  	s6 =	sshll.u32 s26, $0x1;
	_ =	strace $0x80000046;
	[dreg:$0x1] =	wrdreg $0xFFFFFFFF  }
0xa8: {  	s28 =	simm.s32 $_size_execute0_lowered;
	s4 =	sadd.s32 s4, s6;
	[dreg:$0x0] =	wrdreg $0x0  }
0xa9: {  	s6 =	sshll.u32 s28, $0x1;
	[dreg:$0x2] =	wrdreg s4  }
0xaa: {  	[dreg:$0x3] =	wrdreg s6  }
0xab: {  	[dreg:$0x4] =	wrdreg $0xC0  }
0xac: {  	_ =	task [dreg:s8], $0x5FFFF  }
0xad: {  	[dreg:$0x1] =	wrdreg $0xFFFFFFFF  }
0xae: {  	[dreg:$0x0] =	wrdreg $0x60  }
0xaf: {  	[dreg:$0x2] =	wrdreg s2  }
0xb0: {  	[dreg:$0x3] =	wrdreg s18  }
0xb1: {  	[dreg:$0x4] =	wrdreg s24  }
0xb2: {  	[dreg:$0x5] =	wrdreg $0x9  }
0xb3: {  	_ =	task.clear_ibuf [dreg:s8], $0x6FFFF;
	_ =	strace $0x90000046  }
0xb4: {  	s29 =	simm.s32 $0x9;
	_ =	strace $0x80000048  }
0xb5: {  	_ =	swait.ge [sflag:s29], $0x1  }
0xb6: {  	[sflag:s29] =	ssyncadd.s32 $0xFFFFFFFF  }
0xb7: {  	_ =	strace $0x90000048  }
0xb8: {  	_ =	sfence  }
0xb9: {  	s30 =	sld [smem:$0x0];
	_ =	sdelay $0x2  }
0xba: {  	s31 =	sshll.u32 s1, $0xD;
	s1 =	sshrl.u32 s1, $0x2  }
0xbb: {  	s3 =	sand.u32 $0x4000, s31;
	s1 =	sadd.s32 s1, s30  }
0xbc: {  	s0 =	sor.u32 s3, s0;
	s1 =	sshll.u32 s1, $0x11  }
0xbd: {  	s0 =	sor.u32 s1, s0  }
0xbe: {  	s0 =	sadd.s32 $0x8F2B, s0  }
0xbf: {  	[sflag:s0] =	ssyncadd.remote.s32 $0x1  }
0xc0: {  	_ =	sfence.sel $0xFFFF  }
0xc1: {  	[dreg:$0x0] =	wrdreg $0xFFFFFFFF;
	(pc) =	sbr.abs _section_cstart, $3  }
0xc2: {  	[dreg:$0x1] =	wrdreg $0xFFFFFFFF  }
0xc3: {  	_ =	task.clear_ibuf [dreg:s8], $0x2FFFF;
	_ =	strace $0x9FFFFFFF  }
0xc4: {  	(tm) =	ssettm $0x7FFFFFFF  }
0xc5: {  	_ =	shalt  }
tec
execute0_lowered:
.L_overlay_start_1:
0x0: {  	(tag) =	ssettag $0x1  }
0x1: {  	s1 =	rddreg [dreg:$0x0]  }
0x2: {  	s3 =	rddreg [dreg:$0x1]  }
0x3: {  	s0 =	srdreg.scid;
	s11 =	stileid.u32  }
0x4: {  	s2 =	rddreg [dreg:$0x2];
	s4 =	simm.s32 $0x0;
	s18 =	simm.s32 $0x5  }
0x5: {  	s19 =	simm.s32 $0x1;
	s20 =	simm.s32 $0x19810;
	s21 =	simm.s32 $0x1B800  }
0x6: {  	s22 =	simm.s32 $0x3;
	s23 =	simm.s32 $0x2;
	s24 =	simm.s32 $0x4  }
0x7: {  	s26 =	simm.s32 $0x6;
	s28 =	simm.s32 $0x0;
	s0 =	sand.u32 $0x1, s0  }
0x8: {  	s5 =	sshll.u32 s11, $0x1;
	[smem:$0x7FF] =	sst s4;
	s11 =	smul.u32 $0x31000, s11  }
0x9: {  	s6 =	sor.u32 s0, s5;
	s8 =	ssub.s32 $0x2, s0;
	s0 =	smul.u32 $0x18800, s0  }
0xa: {  	v0 =	vimm.s32 $0xEDCBA987;
	_ =	strace $0x80000047;
	s7 =	smul.u32 $0x30D40, s6;
	s6 =	sshll.u32 s6, $0x1  }
0xb: {  	v1 =	vimm.s32 $0x65432100;
	v0 =	vunpack.c.l.s4.s8 v0;
	s5 =	sadd.s32 $0x1000, s2;
	s10 =	sshrl.u32 s8, $0x1;
	s2 =	sadd.s32 s6, s2  }
.Ltmp0:
0xc: {  	v1 =	vunpack.c.l.s4.s8 v1;
	s8 =	ssub.s32 s8, s10;
	s0 =	sadd.s32 s0, s11;
	(pc) =	sbr.rel .LBB2_1-.Ltmp0, $4  }
0xd: {  	vm0 =	vmmov $0x1;
	v0 =	vunpack.c.0.s8.s32 v0;
	s9 =	sshrl.u32 s7, $0x3;
	s2 =	sadd.s32 $0x63000, s2;
	[dreg:$0x7] =	wrdreg s0  }
0xe: {  	vm1 =	vmmov $0x7fff;
	vm2 =	vcmask $0x3F3C;
	v1 =	vunpack.c.0.s8.s32 v1;
	s6 =	sadd.s32 s3, s9;
	s9 =	sadd.s32 s1, s9;
	[dreg:$0x6] =	wrdreg s2  }
0xf: {  	vm3 =	vcmask $0x300;
	vm4 =	vcmask $0x704;
	s10 =	sadd.s32 $0x1F40, s7;
	v2 =	vand.u32 $0xF, v0;
	s31 =	sadd.s32 $0x61A6, s6;
	[dreg:$0x5] =	wrdreg s9  }
0x10: {  	s12 =	smax.u32 s8, $0x1;
	v0 =	vimm.s32 $0x0;
	v1 =	vcombine.low v1, v2;
	v2 =	vimm.f32 $0.0e+00;
	s9 =	sadd.s32 $0xFA0, s7;
	[dreg:$0x4] =	wrdreg s31  }
.LBB2_20:
0x11: {  	[sflag:s26] =	ssyncset.done $0x0  }
0x12: {  	[sflag:s26] =	ssyncadd.s32 $0xFFFFF3C0  }
.LBB2_21:
0x13: {  	v3 =	vmov s30  }
0x14: {  	s28 =	sadd.s32 $0x1, s28;
	v3 =	vnsel vm3, $0x0, v3  }
0x15: {  	p0 =	sne.s32 s28, s12;
	v3 =	vsel vm4, s29, v3  }
.Ltmp1:
0x16: {  	s0 =	rddreg [dreg:$0x6];
	s2 =	simm.s32 $0x1C880;
	[tilespmem:$0x1C880] =	vst v3;
	(pc) =	sbr.rel @!p0 .LBB2_22-.Ltmp1, $4  }
0x17: {  	[hbm4b:s0+s4] =	stream.linear.scatter [tilespmem:s2], [sflag:$0x6], $0x10, $0x38;
	[tilespmem:$0x1C900] =	vst v63  }
0x18: {  	_ =	swait.ge [sflag:s26], $0x10  }
0x19: {  	[sflag:s26] =	ssyncset.done $0x0  }
0x1a: {  	[sflag:s26] =	ssyncadd.s32 $0xFFFFFFF0  }
.LBB2_1:
0x1b: {  	s0 =	simm.s32 $0x1C800  }
0x1c: {  	[tilespmem:s0], [sflag:$0x5] =	stream.linear.gather [hbm4b:s6+s4], $0x10, $0x38;
	[tilespmem:$0x1C900] =	vst v63  }
0x1d: {  	s11 =	rddreg [dreg:$0x4];
	s2 =	simm.s32 $0x1C810  }
0x1e: {  	[tilespmem:s2], [sflag:$0x5] =	stream.linear.gather [hbm4b:s11+s4], $0x10, $0x38;
	[tilespmem:$0x1C900] =	vst v63  }
0x1f: {  	s13 =	simm.s32 $0x18810  }
0x20: {  	[tilespmem:s13], [sflag:$0x1] =	stream.linear.gather [hbm4b:s6+s4], $0xFA0, $0x38;
	[tilespmem:$0x1C900] =	vst v63  }
0x21: {  	s14 =	rddreg [dreg:$0x5];
	s15 =	simm.s32 $0x1A800  }
0x22: {  	[tilespmem:s15], [sflag:$0x3] =	stream.linear.gather [hbm4b:s14+s4], $0xFA0, $0x38;
	[tilespmem:$0x1C900] =	vst v63  }
0x23: {  	_ =	swait.ge [sflag:s18], $0x10  }
0x24: {  	[sflag:s18] =	ssyncset.done $0x0  }
0x25: {  	[sflag:s18] =	ssyncadd.s32 $0xFFFFFFF0  }
0x26: {  	_ =	swait.ge [sflag:s18], $0x10  }
0x27: {  	[sflag:s18] =	ssyncset.done $0x0  }
0x28: {  	[sflag:s18] =	ssyncadd.s32 $0xFFFFFFF0  }
0x29: {  	v3 =	vld [tilespmem:$0x1C800];
	_ =	sdelay $0x1  }
0x2a: {  	v4 =	vld [tilespmem:$0x1C810];
	_ =	sdelay $0x2  }
0x2b: {  	v3 =	vnsel vm0, $0x7FFFFFFF, v3  }
0x2c: {  	v3 =	vxor.u32 $0x80000000, v3  }
0x2d: {  	(xrf0) =	vmin.scan.msk.u32 $0xffff, v3;
	v3 =	vsel vm1, $0x7FFFFFFF, v4  }
0x2e: {  	v3 =	vxor.u32 $0x80000000, v3  }
0x2f: {  	(xrf0) =	vmin.scan.msk.u32 $0xffff, v3;
	_ =	sdelay $0x3  }
0x30: {  	v3, _, _ =	vpop (xrf0)  }
0x31: {  	(v2sf) =	vpush v3, $0xF  }
0x32: {  	v3, _, _ =	vpop (xrf0)  }
0x33: {  	(v2sf) =	vpush v3, $0xF;
	_ =	sdelay $0xc  }
0x34: {  	s16 =	spop (v2sf)  }
0x35: {  	s2 =	sxor.u32 $0x80000000, s16  }
0x36: {  	s7 =	smulhi.u32 $0x5397829D, s2;
	s8 =	sshra.s32 s2, $0x1F;
	s11 =	spop (v2sf)  }
0x37: {  	s8 =	smul.u32 $0x5397829D, s8;
	s13 =	sxor.u32 $0x80000000, s11  }
0x38: {  	s14 =	smulhi.u32 $0x5397829D, s13;
	s15 =	sshra.s32 s13, $0x1F  }
0x39: {  	s17 =	smul.u32 $0x5397829D, s15  }
0x3a: {  	p0 =	sgt.s32 s16, $0xFFFFFFFF;
	p1 =	slt.s32 s2, $0x1;
	s7 =	sadd.s32 s8, s7  }
0x3b: {  	s25 =	sshrl.u32 s7, $0x1F;
	s7 =	sshra.s32 s7, $0xA;
	s16 =	sadd.s32 s17, s14  }
0x3c: {  	s31 =	sadd.s32 s25, s7;
	s8 =	sshrl.u32 s16, $0x1F;
	s0 =	sshra.s32 s16, $0xA  }
0x3d: {  	s17 =	ssub.s32 $0x0, s2;
	s7 =	smul.u32 $0xFFFFF3C0, s31;
	s2 =	sadd.s32 s8, s0  }
0x3e: {  	p0 =	por p0, p1;
	s0 =	smul.u32 $0xFFFFF3C0, s2  }
0x3f: {  	p3 =	sgt.s32 s11, $0xFFFFFFFF;
	p2 =	slt.s32 s13, $0x1;
	s25 =	ssub.s32 $0x0, s13  }
0x40: {  	p4 =	por p3, p2;
	p6 =	sne.s32 s7, s17;
	p5 =	sne.s32 s0, s25  }
0x41: {  	s7 =	simm.s32 $0x1;
	p0 =	por !p0, !p6;
	p6 =	por !p4, !p5  }
0x42: {  	p3 =	por !p0, !p0;
	s0 =	simm.s32 $0x1;
	p1 =	por !p6, !p6  }
0x43: {  	s0 =	simm.s32 @!p3 $0x0;
	s7 =	simm.s32 @!p1 $0x0  }
0x44: {  	s30 =	ssub.s32 s31, s0;
	s29 =	ssub.s32 s2, s7  }
0x45: {  	p0 =	sgt.s32 s30, s29  }
.Ltmp2:
0x46: {  	_ = 	snop;
	(pc) =	sbr.rel @p0 .LBB2_7-.Ltmp2, $3  }
0x47: {  	_ =	sdelay $0x1  }
0x48: {  	s0 =	simm.s32 $0xFFFFFFFF  }
0x49: {  	s0 =	simm.s32 @!p3 $0x0  }
0x4a: {  	s7 =	smul.u32 $0x3100, s31  }
0x4b: {  	s8 =	smul.u32 $0x3100, s0  }
0x4c: {  	s11 =	smul.u32 $0x3100, s30  }
0x4d: {  	s7 =	sadd.s32 s8, s7  }
0x4e: {  	s15 =	smov.u32 s30;
	s11 =	sshra.s32 s11, $0x2;
	s7 =	sshra.s32 s7, $0x2  }
0x4f: {  	s8 =	smul.u32 $0xC40, s30;
	s13 =	sadd.s32 $0x40, s11;
	s14 =	sadd.s32 $0xC00, s7  }
.LBB2_3:
0x50: {  	[tilespmem:s13+$0xFFFFFFD0] =	vst v2  }
0x51: {  	[tilespmem:s13+$0xFFFFFFE0] =	vst v2  }
0x52: {  	[tilespmem:s13+$0xFFFFFFF0] =	vst v2  }
0x53: {  	[tilespmem:s13+$0x0] =	vst v2  }
0x54: {  	s7 =	sshll.u32 s15, $0x6;
	[tilespmem:s13+$0x10] =	vst v2  }
0x55: {  	[tilespmem:s13+$0x20] =	vst v2;
	s16 =	sand.u32 $0x40, s7;
	s25 =	sand.u32 $0xFFFFFF80, s8  }
0x56: {  	[tilespmem:s13+$0x30] =	vst v2;
	s7 =	sor.u32 s25, s16  }
0x57: {  	s17 =	simm.s32 $0x0;
	s25 =	sadd.s32 $0x80, s13;
	[tilespmem:s7+$0x0] =	vst v2;
	s7 =	smov.u32 s8  }
.LBB2_4:
0x58: {  	[tilespmem:s25+$0xFFFFFFD0] =	vst v2  }
0x59: {  	s17 =	sadd.s32 $0x8, s17;
	[tilespmem:s25+$0xFFFFFFE0] =	vst v2  }
0x5a: {  	p2 =	slt.u32 s17, $0xB8;
	[tilespmem:s25+$0xFFFFFFF0] =	vst v2  }
.Ltmp3:
0x5b: {  	[tilespmem:s25+$0x0] =	vst v2;
	(pc) =	sbr.rel @p2 .LBB2_4-.Ltmp3, $4  }
0x5c: {  	s7 =	sadd.s32 $0x80, s7;
	[tilespmem:s25+$0x10] =	vst v2  }
0x5d: {  	s11 =	sand.u32 $0xFFFFFF80, s7;
	[tilespmem:s25+$0x20] =	vst v2  }
0x5e: {  	s11 =	sor.u32 s11, s16;
	[tilespmem:s25+$0x30] =	vst v2  }
0x5f: {  	s25 =	sadd.s32 $0x80, s25;
	[tilespmem:s11+$0x0] =	vst v2;
	s11 =	simm.s32 $0x0  }
.LBB2_5:
0x60: {  	p2 =	sne.s32 s11, $0xC0  }
.Ltmp4:
0x61: {  	_ = 	snop;
	(pc) =	sbr.rel @p2 .LBB2_5-.Ltmp4, $4  }
0x62: {  	_ = 	snop  }
0x63: {  	s7 =	sshra.s32 s11, $0x2  }
0x64: {  	s7 =	sadd.s32 s7, s14  }
0x65: {  	s11 =	sadd.s32 $0x40, s11;
	[tilespmem:s7+$0x0] =	vst v2  }
0x66: {  	p2 =	seq.s32 s15, s29  }
.Ltmp5:
0x67: {  	_ = 	snop;
	(pc) =	sbr.rel @!p2 .LBB2_3-.Ltmp5, $3  }
0x68: {  	_ =	sdelay $0x1  }
0x69: {  	s7 =	sadd.s32 $0x1, s15;
	s8 =	sadd.s32 $0xC40, s8  }
0x6a: {  	s13 =	sadd.s32 $0xC40, s13;
	s14 =	sadd.s32 $0xC40, s14;
	s15 =	smov.u32 s7  }
.LBB2_7:
0x6b: {  	s14 =	simm.s32 $0xFFFFFFFF  }
0x6c: {  	s15 =	simm.s32 $0x0;
	s14 =	simm.s32 @!p1 $0x0  }
.LBB2_8:
0x6d: {  	s16 =	smul.u32 $0x1F40, s15;
	_ =	sdelay $0x1  }
0x6e: {  	s7 =	sadd.s32 s16, s9  }
0x6f: {  	s7 =	sshrl.u32 s7, $0x3  }
0x70: {  	s8 =	sadd.s32 s3, s7  }
0x71: {  	[tilespmem:s20], [sflag:$0x2] =	stream.linear.gather [hbm4b:s8+s4], $0xFA0, $0x38;
	[tilespmem:$0x1C900] =	vst v63  }
0x72: {  	s7 =	sadd.s32 s1, s7  }
0x73: {  	[tilespmem:s21], [sflag:$0x4] =	stream.linear.gather [hbm4b:s7+s4], $0xFA0, $0x38;
	[tilespmem:$0x1C900] =	vst v63  }
0x74: {  	_ =	swait.ge [sflag:s19], $0xFA0  }
0x75: {  	[sflag:s19] =	ssyncset.done $0x0  }
0x76: {  	[sflag:s19] =	ssyncadd.s32 $0xFFFFF060  }
0x77: {  	_ =	swait.ge [sflag:s22], $0xFA0  }
0x78: {  	[sflag:s22] =	ssyncset.done $0x0  }
0x79: {  	s17 =	simm.s32 $0x18821;
	[sflag:s22] =	ssyncadd.s32 $0xFFFFF060  }
0x7a: {  	v6 =	vld [tilespmem:s17+$0x1F]  }
0x7b: {  	v3 =	vld [tilespmem:s17+$0xFFFFFFEF]  }
0x7c: {  	v8 =	vld [tilespmem:s17+$0xFFFFFFF0]  }
0x7d: {  	s25 =	simm.s32 $0x1A820;
	v9 =	vld [tilespmem:s17+$0x20]  }
0x7e: {  	v11 =	vld [tilespmem:s25+$0x10];
	_ =	sdelay $0x2  }
0x7f: {  	v5 =	vld [tilespmem:s17+$0xFFFFFFFF]  }
0x80: {  	v7 =	vld [tilespmem:s25+$0xFFFFFFF0]  }
0x81: {  	v4 =	vld [tilespmem:s17+$0xF];
	vm5 =	vne.s32 v3, v8;
	vm7 =	vne.s32 v6, v9;
	(xrf2) =	vadd.scan.msk.f32 $0xffff, v11  }
0x82: {  	v10 =	vld [tilespmem:s17+$0x10];
	v8 =	vsel vm5, $0x1, v0;
	v9 =	vsel vm7, $0x1, v0  }
0x83: {  	v13 =	vperm.xlane v8, v1;
	v14 =	vperm.xlane v9, v1;
	v8 =	vld [tilespmem:s25+$0x0]  }
0x84: {  	v12 =	vld [tilespmem:s17+$0x0]  }
0x85: {  	s13 =	simm.s32 $0x0;
	s7 =	simm.s32 $0x1A860;
	(xrf2) =	vadd.scan.msk.f32 $0xffff, v7;
	v9 =	vld [tilespmem:s25+$0xFFFFFFE0];
	s25 =	simm.s32 $0x18861;
	vm6 =	vne.s32 v13, $0x0;
	vm8 =	vne.s32 v14, $0x0  }
.LBB2_9:
0x86: {  	v13 =	vld [tilespmem:s25+$0x1F];
	s13 =	sadd.s32 $0x4, s13  }
0x87: {  	v14 =	vld [tilespmem:s25+$0xFFFFFFFF];
	p1 =	slt.u32 s13, $0xF4  }
0x88: {  	vm9 =	vne.s32 v4, v10;
	v15 =	vld [tilespmem:s25+$0xF];
	(xrf2) =	vadd.scan.msk.f32 $0xffff, v8  }
0x89: {  	vm11 =	vne.s32 v5, v12;
	vm10 =	vmor vm9, vm2;
	v10 =	vld [tilespmem:s25+$0x10]  }
0x8a: {  	vm7 =	vmor vm7, vm2;
	v16 =	vsel vm11, $0x1, v0;
	v17 =	vsel vm9, $0x1, v0;
	v12 =	vld [tilespmem:s25+$0x0]  }
0x8b: {  	vm11 =	vmor vm11, vm2;
	v16 =	vperm.xlane v16, v1;
	v17 =	vperm.xlane v17, v1;
	v18 =	vld [tilespmem:s25+$0xFFFFFFEF];
	(xrf2) =	vadd.scan.msk.f32 $0xffff, v9;
	v19, _, _ =	vpop (xrf2)  }
0x8c: {  	v20 =	vld [tilespmem:s25+$0xFFFFFFF0]  }
0x8d: {  	vm8 =	vmor vm8, vm0;
	vm9 =	vne.s32 v16, $0x0;
	vm13 =	vne.s32 v17, $0x0;
	v21 =	vld [tilespmem:s25+$0x20]  }
0x8e: {  	vm12 =	vmor vm9, vm0;
	vm9 =	vmor vm13, vm0;
	v16 =	vld [tilespmem:s7+$0x10]  }
0x8f: {  	s17 =	simm.s32 $0x0;
	v11 =	vsub.f32 v11, v19;
	v17 =	vld [tilespmem:s7+$0x0];
	v22, _, _ =	vpop (xrf2)  }
0x90: {  	[tilespmem:v6+s17+$0x0] =	vst.idx.add.f32.msk vm7, v19  }
0x91: {  	vm14 =	vmor vm6, vm0;
	vm13 =	vmor vm5, vm2;
	v19 =	vld [tilespmem:s7+$0xFFFFFFE0];
	vm5 =	vne.s32 v18, v20  }
0x92: {  	v20 =	vsel vm5, $0x1, v0;
	vm7 =	vne.s32 v13, v21;
	v21 =	vsub.f32 v7, v22;
	v7 =	vld [tilespmem:s7+$0xFFFFFFF0];
	v23, _, _ =	vpop (xrf2)  }
0x93: {  	v20 =	vperm.xlane v20, v1;
	v24 =	vsel vm7, $0x1, v0;
	v25 =	vsub.f32 v8, v23;
	[tilespmem:v6+s17+$0x0] =	vst.idx.add.f32.msk vm8, v11  }
0x94: {  	v6 =	vmovc v13;
	v11 =	vmov v16;
	v24 =	vperm.xlane v24, v1;
	[tilespmem:v4+s17+$0x0] =	vst.idx.add.f32.msk vm10, v23;
	v8 =	vmov v17  }
.Ltmp6:
0x95: {  	vm6 =	vne.s32 v20, $0x0;
	(xrf2) =	vadd.scan.msk.f32 $0xffff, v11;
	[tilespmem:v5+s17+$0x0] =	vst.idx.add.f32.msk vm11, v22;
	v13, _, _ =	vpop (xrf2);
	(pc) =	sbr.rel @p1 .LBB2_9-.Ltmp6, $4  }
0x96: {  	vm8 =	vne.s32 v24, $0x0;
	v16 =	vsub.f32 v9, v13;
	[tilespmem:v5+s17+$0x0] =	vst.idx.add.f32.msk vm12, v21;
	v5 =	vmovc v14;
	v9 =	vmov v19  }
0x97: {  	[tilespmem:v3+s17+$0x0] =	vst.idx.add.f32.msk vm13, v13  }
0x98: {  	[tilespmem:v3+s17+$0x0] =	vst.idx.add.f32.msk vm14, v16;
	v3 =	vmov v18  }
0x99: {  	s25 =	sadd.s32 $0x40, s25;
	s7 =	sadd.s32 $0x40, s7;
	(xrf2) =	vadd.scan.msk.f32 $0xffff, v7;
	[tilespmem:v4+s17+$0x0] =	vst.idx.add.f32.msk vm9, v25;
	v4 =	vmov v15  }
0x9a: {  	(xrf2) =	vadd.scan.msk.f32 $0xffff, v8  }
0x9b: {  	vm9 =	vne.s32 v5, v12  }
0x9c: {  	vm7 =	vmor vm7, vm2;
	(xrf2) =	vadd.scan.msk.f32 $0xffff, v9;
	v12 =	vsel vm9, $0x1, v0  }
0x9d: {  	vm10 =	vne.s32 v4, v10;
	vm8 =	vmor vm8, vm0;
	v54 =	vperm.xlane v12, v1  }
0x9e: {  	v55 =	vsel vm10, $0x1, v0;
	vm9 =	vmor vm9, vm2  }
0x9f: {  	vm11 =	vmor vm10, vm2;
	v56 =	vperm.xlane v55, v1;
	vm15 =	vne.s32 v54, $0x0  }
0xa0: {  	v57, _, _ =	vpop (xrf2);
	vm10 =	vmor vm15, vm0  }
0xa1: {  	vm5 =	vmor vm5, vm2;
	vm12 =	vne.s32 v56, $0x0;
	v11 =	vsub.f32 v11, v57  }
0xa2: {  	[tilespmem:v6+s17+$0x0] =	vst.idx.add.f32.msk vm7, v57;
	vm7 =	vmor vm12, vm0  }
0xa3: {  	vm6 =	vmor vm6, vm0;
	[tilespmem:v6+s17+$0x0] =	vst.idx.add.f32.msk vm8, v11;
	v58, _, _ =	vpop (xrf2)  }
0xa4: {  	v59, _, _ =	vpop (xrf2);
	v60 =	vsub.f32 v7, v58;
	[tilespmem:v5+s17+$0x0] =	vst.idx.add.f32.msk vm9, v58  }
0xa5: {  	[tilespmem:v4+s17+$0x0] =	vst.idx.add.f32.msk vm11, v59  }
0xa6: {  	v61, _, _ =	vpop (xrf2);
	v63 =	vsub.f32 v8, v59;
	[tilespmem:v5+s17+$0x0] =	vst.idx.add.f32.msk vm10, v60  }
0xa7: {  	v62 =	vsub.f32 v9, v61;
	[tilespmem:v3+s17+$0x0] =	vst.idx.add.f32.msk vm5, v61  }
0xa8: {  	[tilespmem:v4+s17+$0x0] =	vst.idx.add.f32.msk vm7, v63  }
0xa9: {  	[tilespmem:v3+s17+$0x0] =	vst.idx.add.f32.msk vm6, v62  }
.LBB2_11:
0xaa: {  	s7 =	sshra.s32 s17, $0x2  }
0xab: {  	v3 =	vld [tilespmem:s7+$0x1B780]  }
0xac: {  	v4 =	vld [tilespmem:s7+$0x19790]  }
0xad: {  	v5 =	vld [tilespmem:s7+$0x19791];
	_ =	sdelay $0x2  }
0xae: {  	(xrf2) =	vadd.scan.msk.f32 $0xffff, v3;
	_ =	sdelay $0x1  }
0xaf: {  	vm5 =	vne.s32 v4, v5  }
0xb0: {  	v5 =	vsel vm5, $0x1, v0  }
0xb1: {  	v5 =	vperm.xlane v5, v1;
	_ =	sdelay $0x1  }
0xb2: {  	vm5 =	vmor vm5, vm2;
	vm6 =	vne.s32 v5, $0x0  }
0xb3: {  	vm6 =	vmor vm6, vm0  }
0xb4: {  	p1 =	sne.s32 s17, $0x40  }
.Ltmp7:
0xb5: {  	_ = 	snop;
	(pc) =	sbr.rel @p1 .LBB2_11-.Ltmp7, $4  }
0xb6: {  	v63, _, _ =	vpop (xrf2)  }
0xb7: {  	v3 =	vsub.f32 v3, v63  }
0xb8: {  	[tilespmem:v4+s4+$0x0] =	vst.idx.add.f32.msk vm5, v63  }
0xb9: {  	s17 =	sadd.s32 $0x40, s17;
	[tilespmem:v4+s4+$0x0] =	vst.idx.add.f32.msk vm6, v3  }
0xba: {  	p1 =	seq.s32 s15, $0x18  }
0xbb: {  	s7 =	sadd.s32 @!p1 s16, s10  }
0xbc: {  	s7 =	sshrl.u32 @!p1 s7, $0x3  }
0xbd: {  	s11 =	simm.s32 @!p1 $0x0;
	s13 =	simm.s32 @!p1 $0x18810;
	s8 =	sadd.s32 @!p1 s3, s7  }
0xbe: {  	[tilespmem:s13], [sflag:$0x1] =	stream.linear.gather @!p1 [hbm4b:s8+s11], $0xFA0, $0x38;
	[tilespmem:$0x1C900] =	vst v63  }
0xbf: {  	s7 =	sadd.s32 @!p1 s1, s7;
	s8 =	simm.s32 @!p1 $0x1A800  }
0xc0: {  	[tilespmem:s8], [sflag:$0x3] =	stream.linear.gather @!p1 [hbm4b:s7+s11], $0xFA0, $0x38;
	[tilespmem:$0x1C900] =	vst v63  }
0xc1: {  	_ =	swait.ge [sflag:s23], $0xFA0  }
0xc2: {  	[sflag:s23] =	ssyncset.done $0x0  }
0xc3: {  	[sflag:s23] =	ssyncadd.s32 $0xFFFFF060  }
0xc4: {  	_ =	swait.ge [sflag:s24], $0xFA0  }
0xc5: {  	[sflag:s24] =	ssyncset.done $0x0  }
0xc6: {  	s17 =	simm.s32 $0x19821;
	[sflag:s24] =	ssyncadd.s32 $0xFFFFF060  }
0xc7: {  	v6 =	vld [tilespmem:s17+$0x1F]  }
0xc8: {  	v3 =	vld [tilespmem:s17+$0xFFFFFFEF]  }
0xc9: {  	v8 =	vld [tilespmem:s17+$0xFFFFFFF0]  }
0xca: {  	s25 =	simm.s32 $0x1B820;
	v9 =	vld [tilespmem:s17+$0x20]  }
0xcb: {  	v11 =	vld [tilespmem:s25+$0x10];
	_ =	sdelay $0x2  }
0xcc: {  	v5 =	vld [tilespmem:s17+$0xFFFFFFFF]  }
0xcd: {  	v7 =	vld [tilespmem:s25+$0xFFFFFFF0]  }
0xce: {  	v4 =	vld [tilespmem:s17+$0xF];
	vm5 =	vne.s32 v3, v8;
	vm7 =	vne.s32 v6, v9;
	(xrf2) =	vadd.scan.msk.f32 $0xffff, v11  }
0xcf: {  	v10 =	vld [tilespmem:s17+$0x10];
	v8 =	vsel vm5, $0x1, v0;
	v9 =	vsel vm7, $0x1, v0  }
0xd0: {  	v13 =	vperm.xlane v8, v1;
	v14 =	vperm.xlane v9, v1;
	v8 =	vld [tilespmem:s25+$0x0]  }
0xd1: {  	v12 =	vld [tilespmem:s17+$0x0]  }
0xd2: {  	s13 =	simm.s32 $0x0;
	s7 =	simm.s32 $0x1B860;
	s17 =	simm.s32 $0x19861;
	(xrf2) =	vadd.scan.msk.f32 $0xffff, v7;
	v9 =	vld [tilespmem:s25+$0xFFFFFFE0];
	vm6 =	vne.s32 v13, $0x0;
	vm8 =	vne.s32 v14, $0x0  }
.LBB2_13:
0xd3: {  	v13 =	vld [tilespmem:s17+$0x1F];
	s13 =	sadd.s32 $0x4, s13  }
0xd4: {  	v14 =	vld [tilespmem:s17+$0xFFFFFFFF];
	p1 =	slt.u32 s13, $0xF4  }
0xd5: {  	vm9 =	vne.s32 v4, v10;
	v15 =	vld [tilespmem:s17+$0xF];
	(xrf2) =	vadd.scan.msk.f32 $0xffff, v8  }
0xd6: {  	vm11 =	vne.s32 v5, v12;
	vm10 =	vmor vm9, vm2;
	v10 =	vld [tilespmem:s17+$0x10]  }
0xd7: {  	vm7 =	vmor vm7, vm2;
	v16 =	vsel vm11, $0x1, v0;
	v17 =	vsel vm9, $0x1, v0;
	v12 =	vld [tilespmem:s17+$0x0]  }
0xd8: {  	vm11 =	vmor vm11, vm2;
	v16 =	vperm.xlane v16, v1;
	v17 =	vperm.xlane v17, v1;
	v18 =	vld [tilespmem:s17+$0xFFFFFFEF];
	(xrf2) =	vadd.scan.msk.f32 $0xffff, v9;
	v19, _, _ =	vpop (xrf2)  }
0xd9: {  	v20 =	vld [tilespmem:s17+$0xFFFFFFF0]  }
0xda: {  	vm8 =	vmor vm8, vm0;
	vm9 =	vne.s32 v16, $0x0;
	vm13 =	vne.s32 v17, $0x0;
	v21 =	vld [tilespmem:s17+$0x20]  }
0xdb: {  	vm12 =	vmor vm9, vm0;
	vm9 =	vmor vm13, vm0;
	v16 =	vld [tilespmem:s7+$0x10]  }
0xdc: {  	s16 =	simm.s32 $0x0;
	v11 =	vsub.f32 v11, v19;
	v17 =	vld [tilespmem:s7+$0x0];
	v22, _, _ =	vpop (xrf2)  }
0xdd: {  	[tilespmem:v6+s16+$0x0] =	vst.idx.add.f32.msk vm7, v19  }
0xde: {  	vm14 =	vmor vm6, vm0;
	vm13 =	vmor vm5, vm2;
	v19 =	vld [tilespmem:s7+$0xFFFFFFE0];
	vm5 =	vne.s32 v18, v20  }
0xdf: {  	v20 =	vsel vm5, $0x1, v0;
	vm7 =	vne.s32 v13, v21;
	v21 =	vsub.f32 v7, v22;
	v7 =	vld [tilespmem:s7+$0xFFFFFFF0];
	v23, _, _ =	vpop (xrf2)  }
0xe0: {  	v20 =	vperm.xlane v20, v1;
	v24 =	vsel vm7, $0x1, v0;
	v25 =	vsub.f32 v8, v23;
	[tilespmem:v6+s16+$0x0] =	vst.idx.add.f32.msk vm8, v11  }
0xe1: {  	v6 =	vmovc v13;
	v11 =	vmov v16;
	v24 =	vperm.xlane v24, v1;
	[tilespmem:v4+s16+$0x0] =	vst.idx.add.f32.msk vm10, v23;
	v8 =	vmov v17  }
.Ltmp8:
0xe2: {  	vm6 =	vne.s32 v20, $0x0;
	(xrf2) =	vadd.scan.msk.f32 $0xffff, v11;
	[tilespmem:v5+s16+$0x0] =	vst.idx.add.f32.msk vm11, v22;
	v13, _, _ =	vpop (xrf2);
	(pc) =	sbr.rel @p1 .LBB2_13-.Ltmp8, $4  }
0xe3: {  	vm8 =	vne.s32 v24, $0x0;
	v16 =	vsub.f32 v9, v13;
	[tilespmem:v5+s16+$0x0] =	vst.idx.add.f32.msk vm12, v21;
	v5 =	vmovc v14;
	v9 =	vmov v19  }
0xe4: {  	[tilespmem:v3+s16+$0x0] =	vst.idx.add.f32.msk vm13, v13  }
0xe5: {  	[tilespmem:v3+s16+$0x0] =	vst.idx.add.f32.msk vm14, v16;
	v3 =	vmov v18  }
0xe6: {  	s17 =	sadd.s32 $0x40, s17;
	s7 =	sadd.s32 $0x40, s7;
	(xrf2) =	vadd.scan.msk.f32 $0xffff, v7;
	[tilespmem:v4+s16+$0x0] =	vst.idx.add.f32.msk vm9, v25;
	v4 =	vmov v15  }
0xe7: {  	(xrf2) =	vadd.scan.msk.f32 $0xffff, v8  }
0xe8: {  	vm9 =	vne.s32 v5, v12  }
0xe9: {  	vm7 =	vmor vm7, vm2;
	(xrf2) =	vadd.scan.msk.f32 $0xffff, v9;
	v12 =	vsel vm9, $0x1, v0  }
0xea: {  	vm10 =	vne.s32 v4, v10;
	vm8 =	vmor vm8, vm0;
	v54 =	vperm.xlane v12, v1  }
0xeb: {  	v55 =	vsel vm10, $0x1, v0;
	vm9 =	vmor vm9, vm2  }
0xec: {  	vm11 =	vmor vm10, vm2;
	v56 =	vperm.xlane v55, v1;
	vm15 =	vne.s32 v54, $0x0  }
0xed: {  	v57, _, _ =	vpop (xrf2);
	vm10 =	vmor vm15, vm0  }
0xee: {  	vm5 =	vmor vm5, vm2;
	vm12 =	vne.s32 v56, $0x0;
	v11 =	vsub.f32 v11, v57  }
0xef: {  	[tilespmem:v6+s16+$0x0] =	vst.idx.add.f32.msk vm7, v57;
	vm7 =	vmor vm12, vm0  }
0xf0: {  	vm6 =	vmor vm6, vm0;
	[tilespmem:v6+s16+$0x0] =	vst.idx.add.f32.msk vm8, v11;
	v58, _, _ =	vpop (xrf2)  }
0xf1: {  	v59, _, _ =	vpop (xrf2);
	v60 =	vsub.f32 v7, v58;
	[tilespmem:v5+s16+$0x0] =	vst.idx.add.f32.msk vm9, v58  }
0xf2: {  	[tilespmem:v4+s16+$0x0] =	vst.idx.add.f32.msk vm11, v59  }
0xf3: {  	v61, _, _ =	vpop (xrf2);
	v63 =	vsub.f32 v8, v59;
	[tilespmem:v5+s16+$0x0] =	vst.idx.add.f32.msk vm10, v60  }
0xf4: {  	v62 =	vsub.f32 v9, v61;
	[tilespmem:v3+s16+$0x0] =	vst.idx.add.f32.msk vm5, v61  }
0xf5: {  	[tilespmem:v4+s16+$0x0] =	vst.idx.add.f32.msk vm7, v63  }
0xf6: {  	[tilespmem:v3+s16+$0x0] =	vst.idx.add.f32.msk vm6, v62  }
.LBB2_15:
0xf7: {  	s7 =	sshra.s32 s16, $0x2  }
0xf8: {  	v3 =	vld [tilespmem:s7+$0x1C780]  }
0xf9: {  	v4 =	vld [tilespmem:s7+$0x1A790]  }
0xfa: {  	v5 =	vld [tilespmem:s7+$0x1A791];
	_ =	sdelay $0x2  }
0xfb: {  	(xrf2) =	vadd.scan.msk.f32 $0xffff, v3;
	_ =	sdelay $0x1  }
0xfc: {  	vm5 =	vne.s32 v4, v5  }
0xfd: {  	v5 =	vsel vm5, $0x1, v0  }
0xfe: {  	v5 =	vperm.xlane v5, v1;
	_ =	sdelay $0x1  }
0xff: {  	vm5 =	vmor vm5, vm2;
	vm6 =	vne.s32 v5, $0x0  }
0x100: {  	vm6 =	vmor vm6, vm0  }
0x101: {  	p1 =	sne.s32 s16, $0x40  }
.Ltmp9:
0x102: {  	_ = 	snop;
	(pc) =	sbr.rel @p1 .LBB2_15-.Ltmp9, $4  }
0x103: {  	v63, _, _ =	vpop (xrf2)  }
0x104: {  	v3 =	vsub.f32 v3, v63  }
0x105: {  	[tilespmem:v4+s4+$0x0] =	vst.idx.add.f32.msk vm5, v63  }
0x106: {  	s16 =	sadd.s32 $0x40, s16;
	[tilespmem:v4+s4+$0x0] =	vst.idx.add.f32.msk vm6, v3  }
0x107: {  	s15 =	sadd.s32 $0x1, s15  }
0x108: {  	p1 =	seq.s32 s15, $0x19  }
.Ltmp10:
0x109: {  	_ = 	snop;
	(pc) =	sbr.rel @!p1 .LBB2_8-.Ltmp10, $1  }
0x10a: {  	_ =	sdelay $0x3  }
.Ltmp11:
0x10b: {  	(pc) =	sbr.rel @p0 .LBB2_21-.Ltmp11, $1  }
0x10c: {  	_ =	sdelay $0x3  }
0x10d: {  	s2 =	sadd.s32 s14, s2  }
0x10e: {  	s2 =	ssub.s32 s2, s31  }
0x10f: {  	s7 =	smul.u32 $0x3100, s30;
	s0 =	ssub.s32 s2, s0  }
0x110: {  	s8 =	smul.u32 $0xC40, s30;
	s2 =	sadd.s32 $0x1, s0  }
0x111: {  	s31 =	rddreg [dreg:$0x7];
	p0 =	sne.s32 s2, $0x1  }
.Ltmp12:
0x112: {  	s0 =	sshra.s32 s7, $0x2;
	s7 =	sadd.s32 s8, s31;
	(pc) =	sbr.rel @!p0 .LBB2_20-.Ltmp12, $4  }
0x113: {  	s8 =	sshrl.u32 s7, $0x3  }
0x114: {  	s8 =	sadd.s32 s5, s8  }
0x115: {  	[hbm4b:s8+s4] =	stream.linear.scatter [tilespmem:s0], [sflag:$0x6], $0xC40, $0x38;
	[tilespmem:$0x1C900] =	vst v63  }
0x116: {  	s2 =	sadd.s32 $0xFFFFFFFF, s2;
	s7 =	sadd.s32 $0xC40, s7;
	_ =	swait.ge [sflag:s26], $0xC40  }
.LBB2_19:
0x117: {  	s8 =	sshrl.u32 s7, $0x3  }
0x118: {  	[sflag:s26] =	ssyncset.done $0x0;
	s0 =	sadd.s32 $0xC40, s0;
	p0 =	sne.s32 s2, $0x1  }
.Ltmp13:
0x119: {  	s8 =	sadd.s32 s5, s8;
	[sflag:s26] =	ssyncadd.s32 $0xFFFFF3C0;
	(pc) =	sbr.rel @p0 .LBB2_19-.Ltmp13, $3  }
0x11a: {  	[hbm4b:s8+s4] =	stream.linear.scatter [tilespmem:s0], [sflag:$0x6], $0xC40, $0x38;
	[tilespmem:$0x1C900] =	vst v63  }
0x11b: {  	s2 =	sadd.s32 $0xFFFFFFFF, s2;
	_ =	sdelay $0x1  }
0x11c: {  	s7 =	sadd.s32 $0xC40, s7;
	_ =	swait.ge [sflag:s26], $0xC40  }
.Ltmp14:
0x11d: {  	_ = 	snop;
	(pc) =	sbr.rel .LBB2_20-.Ltmp14, $1  }
0x11e: {  	_ =	sdelay $0x3  }
.LBB2_22:
0x11f: {  	_ =	sfence.sel $0x180000  }
0x120: {  	[bflag:$0x0] =	sbarrier.arrive $0xFFFF  }
0x121: {  	_ =	strace $0x90000047  }
0x122: {  	s0 =	stileid.u32;
	[bflag:$0x2] =	sbarrier.arrive $0xFFFF  }
0x123: {  	p0 =	sne.s32 s0, $0x0;
	s0 =	rddreg [dreg:$0x3]  }
0x124: {  	s0 =	sadd.s32 @!p0 $0x100000, s0  }
0x125: {  	[sflag:s0] =	ssyncadd.tile.s32 @!p0 $0x1;
	_ =	shalt  }
.Lfunc_end2:
_tile_overlayer_lowered:
.L_overlay_start_2:
0x126: {  	(tag) =	ssettag $0x2  }
0x127: {  	s0 =	rddreg [dreg:$0x0];
	s2 =	stileid.u32  }
0x128: {  	s1 =	rddreg [dreg:$0x1];
	p0 =	sne.s32 s2, $0x0  }
0x129: {  	s3 =	rddreg [dreg:$0x2];
	[bflag:$0x3] =	sbarrier.arrive $0xFFFF;
	s2 =	simm.s32 @!p0 $0x1C06  }
0x12a: {  	[timem:s3], [sflag:s2] =	dma.local @!p0 [hbm:s0], s1  }
0x12b: {  	s0 =	simm.s32 @!p0 $0x6  }
0x12c: {  	_ =	swait.ge @!p0 [sflag:s0], s1  }
0x12d: {  	s1 =	ssub.s32 @!p0 $0x0, s1;
	[sflag:s0] =	ssyncset.done @!p0 $0x0  }
0x12e: {  	[sflag:s0] =	ssyncadd.s32 @!p0 s1  }
0x12f: {  	[bflag:$0x3] =	sbarrier.arrive $0xFFFF  }
0x130: {  	_ =	shalt  }

// kernel: kernel.7.cloned.1.call-start
scs
__scs_entry_jumppad:
0x0: {  	(pc) =	sbr.rel $0x88, $3  }
0x1: {  	(tag) =	ssettag $0x0;
	lr =	simm.s32 $0x1  }
0x2: {  	[smem:$0x3F9D] =	sst lr;
	_ =	strace $0xD0000000  }
0x3: {  	_ = 	snop  }
0x4: {  	_ = 	snop  }
0x5: {  	_ = 	snop  }
0x6: {  	_ = 	snop  }
0x7: {  	_ = 	snop  }
__scs_overlays_trampoline_lowered:
0x8: {  	[smem:$0x3FAC] =	sst s0  }
0x9: {  	[smem:$0x3FAD] =	sst s1  }
0xa: {  	[smem:$0x3FAE] =	sst s2  }
0xb: {  	[smem:$0x3FAF] =	sst s3  }
0xc: {  	[smem:$0x3FB0] =	sst s4  }
0xd: {  	[smem:$0x3FB1] =	sst s5  }
0xe: {  	[smem:$0x3FB2] =	sst s6  }
0xf: {  	[smem:$0x3FB3] =	sst s7  }
0x10: {  	[smem:$0x3FB4] =	sst s8  }
0x11: {  	[smem:$0x3FB5] =	sst s9;
	s0 =	simm.s32 @!p0 $0x0  }
0x12: {  	s1 =	sld [smem:$0x3F9B];
	s0 =	simm.s32 @p0 $0x1  }
0x13: {  	[smem:$0x3FB6] =	sst s0;
	s0 =	simm.s32 @!p1 $0x0  }
0x14: {  	s2 =	sld [smem:$0x3F9A];
	s0 =	simm.s32 @p1 $0x1  }
0x15: {  	[smem:$0x3FB7] =	sst s0;
	s0 =	simm.s32 @!p2 $0x0  }
0x16: {  	s3 =	sld [smem:$0x3FDB];
	s0 =	simm.s32 @p2 $0x1  }
0x17: {  	s4 =	simm.s32 $0x1BF5;
	[smem:$0x3FB9] =	sst s0  }
0x18: {  	s0 =	sld [smem:$0x3F9C];
	_ =	swait.ge [sflag:s4], $0x0  }
0x19: {  	s7 =	sld [smem:$0x3F9D]  }
0x1a: {  	s8 =	sadd.s32 $0xFFFFE003, lr  }
0x1b: {  	s9 =	sadd.s32 $0xFFFFFEF7, lr;
	s5 =	simm.s32 $0xFFFFFFFF;
	p2 =	slt.u32 s8, $0xFFFFF086  }
0x1c: {  	p1 =	slt.u32 s9, $0xF7A;
	s5 =	simm.s32 @!p2 $0x0  }
0x1d: {  	s5 =	simm.s32 @p1 $0x1;
	p0 =	seq.s32 s7, s2  }
0x1e: {  	s7 =	smul.u32 @!p0 $0xF7A, s2;
	p2 =	seq.s32 @!p0 s5, $0x0  }
0x1f: {  	s9 =	smul.u32 $0xF7A, s1;
	s8 =	simm.s32 @!p0 $0x1BF5;
	p2 =	por !p2, p0  }
0x20: {  	[sflag:s8] =	ssyncset.s32 @!p0 $0xFFFFF086;
	s6 =	sadd.s32 @!p0 s3, s7;
	s7 =	simm.s32 @!p0 $0x108  }
0x21: {  	s3 =	sadd.s32 s3, s9;
	s6 =	sadd.s32 @!p0 $0x88, s6;
	s7 =	simm.s32 @p2 $0x1082  }
0x22: {  	[simem:s7], [sflag:s8] =	dma.local @!p0 [hbm:s6], $0xF7A  }
0x23: {  	s9 =	sor.u32 $0xD0000000, s2;
	s6 =	simm.s32 $0x108;
	_ =	swait.ge @!p0 [sflag:s8], $0x0  }
0x24: {  	s3 =	sadd.s32 $0x88, s3;
	s6 =	simm.s32 @!p1 $0x1082;
	[sflag:s4] =	ssyncset.s32 $0xFFFFF086  }
0x25: {  	[simem:s6], [sflag:s4] =	dma.local [hbm:s3], $0xF7A  }
0x26: {  	[smem:$0x3F9D] =	sst s1;
	(tag) =	ssettag s2;
	_ =	strace s9  }
0x27: {  	s1 =	sld [smem:$0x3FAD]  }
0x28: {  	s2 =	sld [smem:$0x3FAE]  }
0x29: {  	s4 =	sld [smem:$0x3FB0]  }
0x2a: {  	p0 =	seq.s32 s5, $0x0;
	s5 =	sld [smem:$0x3FB1]  }
0x2b: {  	s6 =	sld [smem:$0x3FB2]  }
0x2c: {  	s7 =	sld [smem:$0x3FB3]  }
0x2d: {  	s3 =	simm.s32 $0x108;
	s8 =	sld [smem:$0x3FB4]  }
0x2e: {  	s3 =	simm.s32 @!p0 $0x1082;
	s9 =	sld [smem:$0x3FB5]  }
0x2f: {  	lr =	sadd.s32 s0, s3;
	s0 =	sld [smem:$0x3FAC]  }
0x30: {  	s3 =	sld [smem:$0x3FAF]  }
0x31: {  	[smem:$0x3FB8] =	sst s10  }
0x32: {  	s10 =	sld [smem:$0x3FB6];
	_ =	sdelay $0x3  }
0x33: {  	p0 =	seq.s32 s10, $0x1;
	s10 =	sld [smem:$0x3FB8];
	_ =	sdelay $0x3  }
0x34: {  	[smem:$0x3FB8] =	sst s10  }
0x35: {  	s10 =	sld [smem:$0x3FB7];
	_ =	sdelay $0x3  }
0x36: {  	p1 =	seq.s32 s10, $0x1;
	s10 =	sld [smem:$0x3FB8];
	_ =	sdelay $0x3  }
0x37: {  	[smem:$0x3FB8] =	sst s10  }
0x38: {  	s10 =	sld [smem:$0x3FB9]  }
0x39: {  	_ = 	snop;
	(pc) =	sbr.ind lr, $3  }
0x3a: {  	_ = 	snop  }
0x3b: {  	_ = 	snop  }
0x3c: {  	p2 =	seq.s32 s10, $0x1;
	s10 =	sld [smem:$0x3FB8]  }
0x3d: {  	_ =	shalt  }
0x3e: {  	_ =	shalt  }
0x3f: {  	_ =	shalt  }
0x40: {  	_ =	shalt  }
0x41: {  	_ =	shalt  }
0x42: {  	_ =	shalt  }
0x43: {  	_ =	shalt  }
0x44: {  	_ =	shalt  }
0x45: {  	_ =	shalt  }
0x46: {  	_ =	shalt  }
0x47: {  	_ =	shalt  }
0x48: {  	_ =	shalt  }
0x49: {  	_ =	shalt  }
0x4a: {  	_ =	shalt  }
0x4b: {  	_ =	shalt  }
0x4c: {  	_ =	shalt  }
0x4d: {  	_ =	shalt  }
0x4e: {  	_ =	shalt  }
0x4f: {  	_ =	shalt  }
0x50: {  	_ =	shalt  }
0x51: {  	_ =	shalt  }
0x52: {  	_ =	shalt  }
0x53: {  	_ =	shalt  }
0x54: {  	_ =	shalt  }
0x55: {  	_ =	shalt  }
0x56: {  	_ =	shalt  }
0x57: {  	_ =	shalt  }
0x58: {  	_ =	shalt  }
0x59: {  	_ =	shalt  }
0x5a: {  	_ =	shalt  }
0x5b: {  	_ =	shalt  }
0x5c: {  	_ =	shalt  }
0x5d: {  	_ =	shalt  }
0x5e: {  	_ =	shalt  }
0x5f: {  	_ =	shalt  }
0x60: {  	_ =	shalt  }
0x61: {  	_ =	shalt  }
0x62: {  	_ =	shalt  }
0x63: {  	_ =	shalt  }
0x64: {  	_ =	shalt  }
0x65: {  	_ =	shalt  }
0x66: {  	_ =	shalt  }
0x67: {  	_ =	shalt  }
0x68: {  	_ =	shalt  }
0x69: {  	_ =	shalt  }
0x6a: {  	_ =	shalt  }
0x6b: {  	_ =	shalt  }
0x6c: {  	_ =	shalt  }
0x6d: {  	_ =	shalt  }
0x6e: {  	_ =	shalt  }
0x6f: {  	_ =	shalt  }
0x70: {  	_ =	shalt  }
0x71: {  	_ =	shalt  }
0x72: {  	_ =	shalt  }
0x73: {  	_ =	shalt  }
0x74: {  	_ =	shalt  }
0x75: {  	_ =	shalt  }
0x76: {  	_ =	shalt  }
0x77: {  	_ =	shalt  }
0x78: {  	_ =	shalt  }
0x79: {  	_ =	shalt  }
0x7a: {  	_ =	shalt  }
0x7b: {  	_ =	shalt  }
0x7c: {  	_ =	shalt  }
0x7d: {  	_ =	shalt  }
0x7e: {  	_ =	shalt  }
0x7f: {  	_ =	shalt  }
0x80: {  	_ =	shalt  }
0x81: {  	_ =	shalt  }
0x82: {  	_ =	shalt  }
0x83: {  	_ =	shalt  }
0x84: {  	_ =	shalt  }
0x85: {  	_ =	shalt  }
0x86: {  	_ =	shalt  }
0x87: {  	_ =	shalt  }
.Lfunc_end0:
.L_simem_size_0:
called_computation.1_lowered:
.L_overlay_start_0:
0x88: {  	s2 =	sld [smem:$0x3FD9]  }
0x89: {  	s3 =	sld [smem:$0x3FFE];
	_ =	sdelay $0x1  }
0x8a: {  	s1 =	srdreg.scid  }
0x8b: {  	s0 =	sand.u32 $0x1, s1  }
0x8c: {  	s17 =	sshll.u32 s0, $0xA;
	s2 =	sadd.s32 s3, s2  }
0x8d: {  	s2 =	sadd.s32 s2, s17  }
0x8e: {  	[smem:$0x3FC4] =	sst s2  }
0x8f: {  	_ = 	snop  }
0x90: {  	s2 =	sld [smem:$0x3FC9]  }
0x91: {  	s18 =	sld [smem:$0x3FC8]  }
0x92: {  	s4 =	sld [smem:$0x3FD0];
	(tm) =	ssettm $0x1  }
0x93: {  	s5 =	sld [smem:$0x3FFB];
	_ =	sdelay $0x3  }
0x94: {  	_ =	strace s5  }
0x95: {  	s5 =	sld [smem:$0x3FFC];
	_ =	sdelay $0x3  }
0x96: {  	_ =	strace s5  }
0x97: {  	s5 =	sld [smem:$0x3FFD];
	_ =	sdelay $0x3  }
0x98: {  	_ =	strace s5  }
0x99: {  	_ =	strace $0x8FFFFFFF  }
0x9a: {  	s19 =	sld [smem:$0x3FDB];
	_ =	sdelay $0x1  }
0x9b: {  	s6 =	simm.s32 $_scs_section_size  }
0x9c: {  	s7 =	simm.s32 $_size__tile_overlayer_lowered;
	s8 =	simm.s32 $_tile_overlayer_lowered  }
0x9d: {  	s22 =	simm.s32 $0x1BFF;
	s21 =	sshll.u32 s8, $0x1;
	s5 =	sadd.s32 s6, s19  }
0x9e: {  	s9 =	simm.s32 $0x0;
	s20 =	sshll.u32 s7, $0x1;
	s7 =	sadd.s32 s21, s5  }
0x9f: {  	[timem:s9], [sflag:s22] =	dma.local [hbm:s7], s20  }
0xa0: {  	_ =	swait.ge [sflag:s22], s20  }
0xa1: {  	s6 =	ssub.s32 $0x0, s20;
	[sflag:s22] =	ssyncset.done $0x0  }
0xa2: {  	[sflag:s22] =	ssyncadd.s32 s6;
	_ =	sdelay $0x1  }
0xa3: {  	s23 =	simm.s32 $0x1B8B  }
0xa4: {  	_ =	swait.ge [sflag:s23], $0x1  }
0xa5: {  	[sflag:s23] =	ssyncset.done $0x0  }
0xa6: {  	s25 =	simm.s32 $0x1B8E;
	s24 =	sld [smem:$0x3FFE];
	[sflag:s23] =	ssyncadd.s32 $0xFFFFFFFF  }
0xa7: {  	s26 =	simm.s32 $execute0_lowered;
	[smem:$0x3FD2] =	sst s25  }
0xa8: {  	s7 =	sshll.u32 s26, $0x1;
	_ =	strace $0x80000049;
	[dreg:$0x1] =	wrdreg $0xFFFFFFFF  }
0xa9: {  	s28 =	simm.s32 $_size_execute0_lowered;
	s5 =	sadd.s32 s5, s7;
	[dreg:$0x0] =	wrdreg $0x0  }
0xaa: {  	s7 =	sshll.u32 s28, $0x1;
	[dreg:$0x2] =	wrdreg s5  }
0xab: {  	[dreg:$0x3] =	wrdreg s7  }
0xac: {  	[dreg:$0x4] =	wrdreg $0xC0  }
0xad: {  	_ =	task [dreg:s9], $0x5FFFF  }
0xae: {  	[dreg:$0x1] =	wrdreg $0xFFFFFFFF  }
0xaf: {  	[dreg:$0x0] =	wrdreg $0x60  }
0xb0: {  	[dreg:$0x2] =	wrdreg s2  }
0xb1: {  	[dreg:$0x3] =	wrdreg s18  }
0xb2: {  	[dreg:$0x4] =	wrdreg s24  }
0xb3: {  	[dreg:$0x5] =	wrdreg s4  }
0xb4: {  	[dreg:$0x6] =	wrdreg $0x9  }
0xb5: {  	_ =	task.clear_ibuf [dreg:s9], $0x7FFFF;
	_ =	strace $0x90000049  }
0xb6: {  	s29 =	simm.s32 $0x9;
	_ =	strace $0x8000004B  }
0xb7: {  	_ =	swait.ge [sflag:s29], $0x1  }
0xb8: {  	[sflag:s29] =	ssyncadd.s32 $0xFFFFFFFF  }
0xb9: {  	_ =	strace $0x9000004B  }
0xba: {  	_ =	sfence  }
0xbb: {  	s30 =	sld [smem:$0x0];
	_ =	sdelay $0x2  }
0xbc: {  	s31 =	sshll.u32 s1, $0xD;
	s1 =	sshrl.u32 s1, $0x2  }
0xbd: {  	s3 =	sand.u32 $0x4000, s31;
	s1 =	sadd.s32 s1, s30  }
0xbe: {  	s0 =	sor.u32 s3, s0;
	s1 =	sshll.u32 s1, $0x11  }
0xbf: {  	s0 =	sor.u32 s1, s0  }
0xc0: {  	s0 =	sadd.s32 $0x8F2B, s0  }
0xc1: {  	[sflag:s0] =	ssyncadd.remote.s32 $0x1  }
0xc2: {  	_ =	sfence.sel $0xFFFF  }
0xc3: {  	[dreg:$0x0] =	wrdreg $0xFFFFFFFF;
	(pc) =	sbr.abs _section_cstart, $3  }
0xc4: {  	[dreg:$0x1] =	wrdreg $0xFFFFFFFF  }
0xc5: {  	_ =	task.clear_ibuf [dreg:s9], $0x2FFFF;
	_ =	strace $0x9FFFFFFF  }
0xc6: {  	(tm) =	ssettm $0x7FFFFFFF  }
0xc7: {  	_ =	shalt  }
tec
execute0_lowered:
.L_overlay_start_1:
0x0: {  	(tag) =	ssettag $0x1  }
0x1: {  	s1 =	rddreg [dreg:$0x0]  }
0x2: {  	s2 =	rddreg [dreg:$0x1]  }
0x3: {  	s0 =	rddreg [dreg:$0x2]  }
0x4: {  	s4 =	rddreg [dreg:$0x3]  }
0x5: {  	s3 =	srdreg.scid;
	s6 =	stileid.u32;
	s5 =	simm.s32 $0x0  }
0x6: {  	s22 =	simm.s32 $0x1;
	s28 =	simm.s32 $0x3;
	s29 =	simm.s32 $0x1C800  }
0x7: {  	s30 =	simm.s32 $0x2;
	s31 =	simm.s32 $0x4;
	s18 =	simm.s32 $0x1E880  }
0x8: {  	s19 =	simm.s32 $0x0;
	s3 =	sand.u32 $0x1, s3;
	s6 =	sshll.u32 s6, $0x1  }
0x9: {  	[smem:$0x7FF] =	sst s5;
	s7 =	sadd.s32 $0x1000, s0;
	s8 =	sadd.s32 $0x63200, s0  }
0xa: {  	s9 =	sadd.s32 $0x66400, s0;
	s6 =	sor.u32 s3, s6;
	s3 =	ssub.s32 $0x2, s3  }
0xb: {  	s0 =	sadd.s32 $0x63000, s0;
	s6 =	smul.u32 $0x30D40, s6;
	s10 =	sshrl.u32 s3, $0x1  }
0xc: {  	_ =	strace $0x8000004A;
	[dreg:$0x5] =	wrdreg s0;
	s24 =	ssub.s32 s3, s10  }
0xd: {  	s11 =	sshrl.u32 s6, $0x3;
	s14 =	sadd.s32 $0xFA0, s6;
	s0 =	smax.u32 s24, $0x1  }
0xe: {  	s15 =	sadd.s32 $0x1F40, s6;
	s25 =	sadd.s32 s2, s11;
	[dreg:$0x9] =	wrdreg s0  }
0xf: {  	s24 =	simm.s32 $0x8;
	s26 =	sadd.s32 s1, s11;
	[dreg:$0x6] =	wrdreg s25  }
0x10: {  	s0 =	simm.s32 $0x1D800;
	s3 =	sadd.s32 $0x61A6, s25;
	[dreg:$0x8] =	wrdreg s26  }
0x11: {  	vm0 =	vmmov $0x1;
	vm1 =	vmmov $0x7fff;
	vm2 =	vcmask $0x308;
	s25 =	simm.s32 $0x19800;
	s26 =	simm.s32 $0x1B800;
	[dreg:$0x7] =	wrdreg s3  }
.LBB2_1:
0x12: {  	s3 =	rddreg [dreg:$0x6];
	s10 =	simm.s32 $0x1E800  }
0x13: {  	[tilespmem:s10], [sflag:$0x7] =	stream.linear.gather [hbm4b:s3+s5], $0x10, $0x38;
	[tilespmem:$0x1F700] =	vst v63  }
0x14: {  	s13 =	rddreg [dreg:$0x7];
	s11 =	simm.s32 $0x1E810  }
0x15: {  	[tilespmem:s11], [sflag:$0x7] =	stream.linear.gather [hbm4b:s13+s5], $0x10, $0x38;
	[tilespmem:$0x1F700] =	vst v63  }
0x16: {  	s16 =	simm.s32 $0x18800  }
0x17: {  	[tilespmem:s16], [sflag:$0x1] =	stream.linear.gather [hbm4b:s3+s5], $0xFA0, $0x38;
	[tilespmem:$0x1F700] =	vst v63  }
0x18: {  	s17 =	rddreg [dreg:$0x8];
	s20 =	simm.s32 $0x1A800;
	s21 =	simm.s32 $0x7  }
0x19: {  	[tilespmem:s20], [sflag:$0x3] =	stream.linear.gather [hbm4b:s17+s5], $0xFA0, $0x38;
	[tilespmem:$0x1F700] =	vst v63  }
0x1a: {  	_ =	swait.ge [sflag:s21], $0x10  }
0x1b: {  	[sflag:s21] =	ssyncset.done $0x0  }
0x1c: {  	[sflag:s21] =	ssyncadd.s32 $0xFFFFFFF0  }
0x1d: {  	_ =	swait.ge [sflag:s21], $0x10  }
0x1e: {  	[sflag:s21] =	ssyncset.done $0x0  }
0x1f: {  	[sflag:s21] =	ssyncadd.s32 $0xFFFFFFF0  }
0x20: {  	v0 =	vld [tilespmem:$0x1E800];
	_ =	sdelay $0x1  }
0x21: {  	v1 =	vld [tilespmem:$0x1E810];
	_ =	sdelay $0x2  }
0x22: {  	v0 =	vnsel vm0, $0x7FFFFFFF, v0  }
0x23: {  	v0 =	vxor.u32 $0x80000000, v0  }
0x24: {  	v61 =	vsel vm1, $0x7FFFFFFF, v1;
	(xrf0) =	vmin.scan.msk.u32 $0xffff, v0  }
0x25: {  	v0 =	vxor.u32 $0x80000000, v61  }
0x26: {  	(xrf0) =	vmin.scan.msk.u32 $0xffff, v0;
	_ =	sdelay $0x3  }
0x27: {  	v62, _, _ =	vpop (xrf0)  }
0x28: {  	(v2sf) =	vpush v62, $0xF  }
0x29: {  	v63, _, _ =	vpop (xrf0)  }
0x2a: {  	(v2sf) =	vpush v63, $0xF;
	_ =	sdelay $0xc  }
0x2b: {  	s3 =	spop (v2sf)  }
0x2c: {  	s10 =	sxor.u32 $0x80000000, s3  }
0x2d: {  	s13 =	spop (v2sf);
	s23 =	smulhi.u32 $0x5397829D, s10;
	s12 =	sshra.s32 s10, $0x1F  }
0x2e: {  	s16 =	sxor.u32 $0x80000000, s13;
	s12 =	smul.u32 $0x5397829D, s12  }
0x2f: {  	s17 =	smulhi.u32 $0x5397829D, s16;
	s20 =	sshra.s32 s16, $0x1F  }
0x30: {  	s21 =	smul.u32 $0x5397829D, s20  }
0x31: {  	p0 =	sgt.s32 s3, $0xFFFFFFFF;
	s11 =	sadd.s32 s12, s23  }
0x32: {  	s23 =	sshrl.u32 s11, $0x1F;
	s11 =	sshra.s32 s11, $0xA;
	s21 =	sadd.s32 s21, s17  }
0x33: {  	s11 =	sadd.s32 s23, s11;
	s17 =	sshrl.u32 s21, $0x1F;
	s3 =	sshra.s32 s21, $0xA  }
0x34: {  	p1 =	slt.s32 s10, $0x1;
	s23 =	smul.u32 $0xFFFFF3C0, s11;
	s3 =	sadd.s32 s17, s3  }
0x35: {  	s10 =	ssub.s32 $0x0, s10;
	p3 =	sgt.s32 s13, $0xFFFFFFFF;
	s17 =	smul.u32 $0xFFFFF3C0, s3  }
0x36: {  	p0 =	por p0, p1;
	p5 =	slt.s32 s16, $0x1;
	s20 =	ssub.s32 $0x0, s16  }
0x37: {  	p1 =	por p3, p5;
	p2 =	sne.s32 s23, s10;
	p6 =	sne.s32 s17, s20  }
0x38: {  	s12 =	simm.s32 $0x1;
	p0 =	por !p0, !p2;
	p1 =	por !p1, !p6  }
0x39: {  	s10 =	simm.s32 $0x1;
	p0 =	por !p0, !p0;
	p1 =	por !p1, !p1  }
0x3a: {  	s10 =	simm.s32 @!p0 $0x0;
	s12 =	simm.s32 @!p1 $0x0  }
0x3b: {  	s20 =	ssub.s32 s11, s10;
	s10 =	ssub.s32 s3, s12  }
0x3c: {  	p0 =	sgt.s32 s20, s10  }
.Ltmp0:
0x3d: {  	s21 =	rddreg [dreg:$0x5];
	s23 =	simm.s32 $0x1F500;
	(pc) =	sbr.rel @p0 .LBB2_12-.Ltmp0, $4  }
0x3e: {  	[tilespmem:s23], [sflag:$0x8] =	stream.linear.gather [hbm4b:s21+s5], $0x200, $0x38;
	[tilespmem:$0x1F700] =	vst v63  }
0x3f: {  	_ =	swait.ge [sflag:s24], $0x200  }
0x40: {  	[sflag:s24] =	ssyncset.done $0x0  }
0x41: {  	[sflag:s24] =	ssyncadd.s32 $0xFFFFFE00  }
0x42: {  	s3 =	smul.u32 $0x3100, s20;
	_ =	sdelay $0x1  }
0x43: {  	s3 =	sshra.s32 s3, $0x2  }
0x44: {  	s23 =	sor.u32 $0x20, s3  }
.LBB2_3:
0x45: {  	s13 =	smul.u32 $0xC40, s20;
	_ =	sdelay $0x1  }
0x46: {  	s12 =	sshrl.u32 s13, $0x3  }
.Ltmp1:
0x47: {  	s16 =	simm.s32 $0x0;
	s3 =	sadd.s32 s8, s12;
	(pc) =	sbr.rel .LBB2_4-.Ltmp1, $4  }
0x48: {  	[tilespmem:s13], [sflag:$0x8] =	stream.linear.gather [hbm4b:s3+s16], $0xC40, $0x38;
	[tilespmem:$0x1F700] =	vst v63  }
0x49: {  	_ =	swait.ge [sflag:s24], $0xC40  }
0x4a: {  	[sflag:s24] =	ssyncset.done $0x0  }
0x4b: {  	[sflag:s24] =	ssyncadd.s32 $0xFFFFF3C0  }
.LBB2_8:
0x4c: {  	s16 =	sadd.s32 $0x1, s16  }
0x4d: {  	p0 =	sne.s32 s16, $0x20  }
.Ltmp2:
0x4e: {  	_ = 	snop;
	(pc) =	sbr.rel @!p0 .LBB2_9-.Ltmp2, $1  }
0x4f: {  	_ =	sdelay $0x3  }
.LBB2_4:
0x50: {  	s3 =	sshll.u32 s16, $0x4  }
0x51: {  	s3 =	sand.u32 $0x3FFFFFF0, s3  }
0x52: {  	v0 =	vld [tilespmem:s3+$0x1F500];
	_ =	sdelay $0x4  }
0x53: {  	v1 =	vnsel vm0, $0x7FFFFFFF, v0  }
0x54: {  	v0 =	vsel vm2, $0x7FFFFFFF, v0;
	v1 =	vxor.u32 $0x80000000, v1  }
0x55: {  	v0 =	vxor.u32 $0x80000000, v0;
	(xrf0) =	vmin.scan.msk.u32 $0xffff, v1  }
0x56: {  	(xrf0) =	vmin.scan.msk.u32 $0xffff, v0;
	_ =	sdelay $0x4  }
0x57: {  	v62, _, _ =	vpop (xrf0)  }
0x58: {  	(v2sf) =	vpush v62, $0xF;
	v63, _, _ =	vpop (xrf0)  }
0x59: {  	(v2sf) =	vpush v63, $0xF;
	_ =	sdelay $0xd  }
0x5a: {  	s21 =	spop (v2sf)  }
0x5b: {  	s3 =	sxor.u32 $0x80000000, s21;
	s11 =	spop (v2sf)  }
0x5c: {  	s11 =	sxor.u32 $0x80000000, s11;
	p0 =	sgt.s32 s3, s20  }
0x5d: {  	p1 =	sgt.s32 @!p0 s20, s11  }
0x5e: {  	p0 =	por p0, p1  }
.Ltmp3:
0x5f: {  	_ = 	snop;
	(pc) =	sbr.rel @p0 .LBB2_8-.Ltmp3, $1  }
0x60: {  	_ =	sdelay $0x3  }
0x61: {  	s3 =	smul.u32 $0x18800, s16;
	_ =	sdelay $0x1  }
0x62: {  	s3 =	sadd.s32 s13, s3  }
0x63: {  	s3 =	sshrl.u32 s3, $0x3  }
0x64: {  	s3 =	sadd.s32 s7, s3  }
0x65: {  	[tilespmem:s18], [sflag:$0x8] =	stream.linear.gather [hbm4b:s3+s5], $0xC40, $0x38;
	[tilespmem:$0x1F700] =	vst v63  }
0x66: {  	_ =	swait.ge [sflag:s24], $0xC40  }
0x67: {  	[sflag:s24] =	ssyncset.done $0x0  }
0x68: {  	[sflag:s24] =	ssyncadd.s32 $0xFFFFF3C0  }
0x69: {  	s3 =	simm.s32 $0x1E8A0;
	v5 =	vld [tilespmem:s23+$0x10]  }
0x6a: {  	v6 =	vld [tilespmem:s3+$0x10]  }
0x6b: {  	v2 =	vld [tilespmem:s3+$0xFFFFFFE0]  }
0x6c: {  	v0 =	vld [tilespmem:s23+$0xFFFFFFF0]  }
0x6d: {  	v4 =	vld [tilespmem:s3+$0xFFFFFFF0]  }
0x6e: {  	v1 =	vld [tilespmem:s23+$0x0]  }
0x6f: {  	v3 =	vld [tilespmem:s3+$0x0];
	v6 =	vsub.f32 v5, v6  }
0x70: {  	s17 =	simm.s32 $0x0;
	s21 =	sadd.s32 $0x40, s23;
	s11 =	smov.u32 s23;
	v5 =	vld [tilespmem:s23+$0xFFFFFFE0]  }
.LBB2_6:
0x71: {  	v7 =	vld [tilespmem:s21+$0x10];
	[tilespmem:s11+$0x10] =	vst v6;
	s3 =	sadd.s32 $0x40, s3  }
0x72: {  	s17 =	sadd.s32 $0x4, s17;
	v6 =	vld [tilespmem:s3+$0x10];
	v4 =	vsub.f32 v0, v4  }
0x73: {  	p0 =	slt.u32 s17, $0xC0;
	v8 =	vld [tilespmem:s3+$0xFFFFFFE0]  }
.Ltmp4:
0x74: {  	v0 =	vld [tilespmem:s21+$0xFFFFFFF0];
	[tilespmem:s11+$0xFFFFFFF0] =	vst v4;
	v3 =	vsub.f32 v1, v3;
	(pc) =	sbr.rel @p0 .LBB2_6-.Ltmp4, $4  }
0x75: {  	v4 =	vld [tilespmem:s3+$0xFFFFFFF0];
	v9 =	vsub.f32 v5, v2  }
0x76: {  	v1 =	vld [tilespmem:s21+$0x0];
	[tilespmem:s11+$0x0] =	vst v3  }
0x77: {  	v3 =	vld [tilespmem:s3+$0x0];
	v6 =	vsub.f32 v7, v6;
	[tilespmem:s11+$0xFFFFFFE0] =	vst v9;
	s11 =	smov.u32 s21  }
0x78: {  	s21 =	sadd.s32 $0x40, s21;
	v5 =	vld [tilespmem:s11+$0xFFFFFFE0];
	v2 =	vmov v8  }
0x79: {  	_ =	sdelay $0x1  }
.Ltmp5:
0x7a: {  	v0 =	vsub.f32 v0, v4;
	(pc) =	sbr.rel .LBB2_8-.Ltmp5, $4  }
0x7b: {  	[tilespmem:s11+$0x10] =	vst v6;
	v1 =	vsub.f32 v1, v3  }
0x7c: {  	[tilespmem:s11+$0xFFFFFFF0] =	vst v0;
	v63 =	vsub.f32 v5, v2  }
0x7d: {  	[tilespmem:s11+$0x0] =	vst v1  }
0x7e: {  	[tilespmem:s11+$0xFFFFFFE0] =	vst v63  }
.LBB2_9:
0x7f: {  	s3 =	sadd.s32 s9, s12  }
0x80: {  	[tilespmem:s18], [sflag:$0x8] =	stream.linear.gather [hbm4b:s3+s5], $0xC40, $0x38;
	[tilespmem:$0x1F700] =	vst v63  }
0x81: {  	_ =	swait.ge [sflag:s24], $0xC40  }
0x82: {  	[sflag:s24] =	ssyncset.done $0x0  }
0x83: {  	s17 =	simm.s32 $0x1E8A0;
	[sflag:s24] =	ssyncadd.s32 $0xFFFFF3C0  }
0x84: {  	v0 =	vld [tilespmem:s17+$0x10]  }
0x85: {  	v1 =	vld [tilespmem:s17+$0xFFFFFFE0];
	_ =	sdelay $0x3  }
0x86: {  	(erf) = vrcp.f32 v0;
	v0 =	vld [tilespmem:s17+$0xFFFFFFF0]  }
0x87: {  	(erf) = vrcp.f32 v1;
	v1 =	vld [tilespmem:s17+$0x0];
	_ =	sdelay $0x2  }
0x88: {  	s21 =	simm.s32 $0x1E8E0  }
0x89: {  	v2 =	vld [tilespmem:s21+$0x10];
	(erf) = vrcp.f32 v0  }
0x8a: {  	v5 =	vld [tilespmem:s21+$0xFFFFFFE0];
	(erf) = vrcp.f32 v1  }
0x8b: {  	v6 =	vld [tilespmem:s23+$0x10]  }
0x8c: {  	v3 =	vld [tilespmem:s21+$0xFFFFFFF0]  }
0x8d: {  	v4 =	vld [tilespmem:s21+$0x0]  }
0x8e: {  	v1 =	vld [tilespmem:s23+$0xFFFFFFF0];
	(erf) = vrcp.f32 v2  }
0x8f: {  	s13 =	simm.s32 $0x1E920;
	v0 =	vld [tilespmem:s23+$0x0];
	v7 =	vpop (erf);
	(erf) = vrcp.f32 v5  }
0x90: {  	s12 =	smov.u32 s23;
	s11 =	smov.u32 s23;
	s3 =	simm.s32 $0x4;
	v2 =	vld [tilespmem:s23+$0xFFFFFFE0];
	v6 =	vmul.f32 v7, v6;
	v5 =	vpop (erf)  }
.LBB2_10:
0x91: {  	v7 =	vld [tilespmem:s13+$0x10];
	s3 =	sadd.s32 $0x4, s3;
	(erf) = vrcp.f32 v3  }
0x92: {  	s11 =	sadd.s32 $0x40, s11;
	v8 =	vld [tilespmem:s13+$0xFFFFFFE0];
	p0 =	slt.u32 s3, $0xC0;
	(erf) = vrcp.f32 v4;
	[tilespmem:s12+$0x10] =	vst v6;
	v3 =	vpop (erf)  }
0x93: {  	v6 =	vld [tilespmem:s11+$0x10];
	v1 =	vmul.f32 v3, v1;
	v4 =	vpop (erf)  }
.Ltmp6:
0x94: {  	v3 =	vld [tilespmem:s13+$0xFFFFFFF0];
	v0 =	vmul.f32 v4, v0;
	(pc) =	sbr.rel @p0 .LBB2_10-.Ltmp6, $4  }
0x95: {  	v4 =	vld [tilespmem:s13+$0x0];
	v2 =	vmul.f32 v5, v2;
	[tilespmem:s12+$0xFFFFFFF0] =	vst v1  }
0x96: {  	(erf) = vrcp.f32 v7;
	v1 =	vld [tilespmem:s11+$0xFFFFFFF0];
	[tilespmem:s12+$0x0] =	vst v0  }
0x97: {  	(erf) = vrcp.f32 v8;
	v0 =	vld [tilespmem:s11+$0x0];
	v5 =	vpop (erf);
	[tilespmem:s12+$0xFFFFFFE0] =	vst v2;
	s12 =	smov.u32 s11  }
0x98: {  	s13 =	sadd.s32 $0x40, s13;
	v2 =	vld [tilespmem:s11+$0xFFFFFFE0];
	v6 =	vmul.f32 v5, v6;
	v5 =	vpop (erf)  }
0x99: {  	(erf) = vrcp.f32 v3  }
0x9a: {  	(erf) = vrcp.f32 v4  }
0x9b: {  	s3 =	sadd.s32 $0x40, s11  }
0x9c: {  	v53 =	vld [tilespmem:s3+$0x10]  }
0x9d: {  	v54 =	vpop (erf);
	v57 =	vld [tilespmem:s3+$0xFFFFFFE0]  }
0x9e: {  	v7 =	vld [tilespmem:s3+$0xFFFFFFF0];
	v1 =	vmul.f32 v54, v1;
	v55 =	vpop (erf)  }
0x9f: {  	v8 =	vld [tilespmem:s3+$0x0];
	[tilespmem:s12+$0x10] =	vst v6;
	v0 =	vmul.f32 v55, v0  }
0xa0: {  	v2 =	vmul.f32 v5, v2;
	[tilespmem:s12+$0xFFFFFFF0] =	vst v1;
	v56 =	vpop (erf)  }
0xa1: {  	p0 =	sne.s32 s20, s10;
	[tilespmem:s12+$0x0] =	vst v0;
	v58 =	vpop (erf);
	v59 =	vmul.f32 v56, v53  }
.Ltmp7:
0xa2: {  	[tilespmem:s12+$0xFFFFFFE0] =	vst v2;
	v1 =	vmul.f32 v58, v57;
	v60 =	vpop (erf);
	(pc) =	sbr.rel @p0 .LBB2_3-.Ltmp7, $4  }
0xa3: {  	[tilespmem:s3+$0x10] =	vst v59;
	v61 =	vmul.f32 v60, v7;
	v62 =	vpop (erf)  }
0xa4: {  	[tilespmem:s3+$0xFFFFFFE0] =	vst v1;
	v63 =	vmul.f32 v62, v8  }
0xa5: {  	s21 =	sadd.s32 $0x1, s20;
	[tilespmem:s3+$0xFFFFFFF0] =	vst v61  }
0xa6: {  	s23 =	sadd.s32 $0xC40, s23;
	s20 =	smov.u32 s21;
	[tilespmem:s3+$0x0] =	vst v63  }
.LBB2_12:
0xa7: {  	s20 =	simm.s32 $0x0;
	s23 =	simm.s32 $0x0  }
.LBB2_13:
0xa8: {  	s12 =	smul.u32 $0x1F40, s23;
	_ =	sdelay $0x1  }
0xa9: {  	s3 =	sadd.s32 s12, s14  }
0xaa: {  	s10 =	sshrl.u32 s3, $0x3  }
0xab: {  	s3 =	sadd.s32 s2, s10  }
0xac: {  	[tilespmem:s25], [sflag:$0x2] =	stream.linear.gather [hbm4b:s3+s5], $0xFA0, $0x38;
	[tilespmem:$0x1F700] =	vst v63  }
0xad: {  	s16 =	sadd.s32 s1, s10  }
0xae: {  	[tilespmem:s26], [sflag:$0x4] =	stream.linear.gather [hbm4b:s16+s5], $0xFA0, $0x38;
	[tilespmem:$0x1F700] =	vst v63  }
0xaf: {  	_ =	swait.ge [sflag:s22], $0xFA0  }
0xb0: {  	[sflag:s22] =	ssyncset.done $0x0  }
0xb1: {  	[sflag:s22] =	ssyncadd.s32 $0xFFFFF060  }
0xb2: {  	_ =	swait.ge [sflag:s28], $0xFA0  }
0xb3: {  	p0 =	seq.s32 s23, $0x0;
	[sflag:s28] =	ssyncset.done $0x0  }
0xb4: {  	s3 =	simm.s32 @!p0 $0x5;
	[sflag:s28] =	ssyncadd.s32 $0xFFFFF060  }
0xb5: {  	_ =	swait.ge @!p0 [sflag:s3], $0xFA0  }
0xb6: {  	[sflag:s3] =	ssyncset.done @!p0 $0x0  }
0xb7: {  	s17 =	simm.s32 $0x18820;
	[sflag:s3] =	ssyncadd.s32 @!p0 $0xFFFFF060  }
0xb8: {  	v0 =	vld [tilespmem:s17+$0x10]  }
0xb9: {  	v1 =	vld [tilespmem:s17+$0xFFFFFFF0]  }
0xba: {  	v2 =	vld [tilespmem:s17+$0xFFFFFFE0]  }
0xbb: {  	s21 =	simm.s32 $0x1A820;
	v3 =	vld [tilespmem:s17+$0x0]  }
0xbc: {  	s11 =	simm.s32 $0x18860;
	v6 =	vld [tilespmem:s21+$0x10]  }
0xbd: {  	v4 =	vld [tilespmem:s11+$0x10]  }
0xbe: {  	v9 =	vld [tilespmem:s11+$0xFFFFFFF0]  }
0xbf: {  	v10 =	vld [tilespmem:s11+$0xFFFFFFE0]  }
0xc0: {  	v11 =	vld [tilespmem:s21+$0xFFFFFFE0]  }
0xc1: {  	v12 =	vld [tilespmem:s21+$0xFFFFFFF0]  }
0xc2: {  	v5 =	vld [tilespmem:s21+$0x0]  }
0xc3: {  	v0 =	vld.idx.msk [tilespmem:v0+s20+$0x0], $0xffff  }
0xc4: {  	v8 =	vld.idx.msk [tilespmem:v1+s20+$0x0], $0xffff  }
0xc5: {  	v7 =	vld.idx.msk [tilespmem:v2+s20+$0x0], $0xffff  }
0xc6: {  	v1 =	vld [tilespmem:s11+$0x0]  }
0xc7: {  	v2 =	vld.idx.msk [tilespmem:v3+s20+$0x0], $0xffff  }
0xc8: {  	s17 =	simm.s32 $0x1A860;
	v4 =	vld.idx.msk [tilespmem:v4+s20+$0x0], $0xffff  }
0xc9: {  	v0 =	vadd.f32 v0, v6;
	v6 =	vld [tilespmem:s17+$0x10]  }
0xca: {  	s13 =	sadd.s32 s6, s12;
	s3 =	simm.s32 $0x1C820;
	v3 =	vld.idx.msk [tilespmem:v9+s20+$0x0], $0xffff;
	v7 =	vadd.f32 v7, v11  }
0xcb: {  	s16 =	simm.s32 $0x0;
	s21 =	simm.s32 $0x188A0;
	s11 =	simm.s32 $0x4;
	v8 =	vadd.f32 v8, v12;
	[tilespmem:s3+$0x10] =	vst v0;
	v0 =	vld.idx.msk [tilespmem:v10+s20+$0x0], $0xffff  }
.LBB2_14:
0xcc: {  	v9 =	vld [tilespmem:s21+$0x10];
	s11 =	sadd.s32 $0x4, s11;
	[tilespmem:s3+$0xFFFFFFE0] =	vst v7;
	v2 =	vadd.f32 v2, v5  }
0xcd: {  	v7 =	vld [tilespmem:s21+$0xFFFFFFF0];
	p1 =	slt.u32 s11, $0xF4;
	[tilespmem:s3+$0xFFFFFFF0] =	vst v8  }
0xce: {  	v8 =	vld [tilespmem:s21+$0x0];
	v4 =	vadd.f32 v4, v6;
	[tilespmem:s3+$0x0] =	vst v2  }
0xcf: {  	s3 =	sadd.s32 $0x40, s3;
	v10 =	vld [tilespmem:s21+$0xFFFFFFE0]  }
0xd0: {  	v11 =	vmov v3;
	v2 =	vld.idx.msk [tilespmem:v1+s16+$0x0], $0xffff;
	[tilespmem:s3+$0x10] =	vst v4  }
0xd1: {  	v12 =	vld [tilespmem:s17+$0xFFFFFFE0]  }
0xd2: {  	v13 =	vld [tilespmem:s17+$0xFFFFFFF0]  }
.Ltmp8:
0xd3: {  	s16 =	simm.s32 $0x0;
	v5 =	vld [tilespmem:s17+$0x0];
	v1 =	vmov v8;
	(pc) =	sbr.rel @p1 .LBB2_14-.Ltmp8, $4  }
0xd4: {  	s17 =	sadd.s32 $0x40, s17;
	v4 =	vld.idx.msk [tilespmem:v9+s16+$0x0], $0xffff  }
0xd5: {  	v6 =	vld [tilespmem:s17+$0x10]  }
0xd6: {  	v3 =	vld.idx.msk [tilespmem:v7+s16+$0x0], $0xffff;
	v7 =	vadd.f32 v0, v12  }
0xd7: {  	s21 =	sadd.s32 $0x40, s21;
	v0 =	vld.idx.msk [tilespmem:v10+s16+$0x0], $0xffff;
	v8 =	vadd.f32 v11, v13  }
0xd8: {  	_ =	sdelay $0x3  }
0xd9: {  	v1 =	vld.idx.msk [tilespmem:v1+s16+$0x0], $0xffff  }
0xda: {  	v9 =	vld [tilespmem:s17+$0xFFFFFFE0]  }
0xdb: {  	v10 =	vld [tilespmem:s17+$0xFFFFFFF0]  }
0xdc: {  	v11 =	vld [tilespmem:s17+$0x0]  }
0xdd: {  	[tilespmem:s3+$0xFFFFFFE0] =	vst v7;
	v2 =	vadd.f32 v2, v5  }
0xde: {  	[tilespmem:s3+$0xFFFFFFF0] =	vst v8;
	v4 =	vadd.f32 v4, v6  }
0xdf: {  	s21 =	sadd.s32 $0x40, s3;
	[tilespmem:s3+$0x0] =	vst v2;
	v0 =	vadd.f32 v0, v9  }
0xe0: {  	[tilespmem:s21+$0x10] =	vst v4;
	v62 =	vadd.f32 v3, v10  }
0xe1: {  	v63 =	vadd.f32 v1, v11;
	[tilespmem:s21+$0xFFFFFFE0] =	vst v0  }
0xe2: {  	[tilespmem:s21+$0xFFFFFFF0] =	vst v62  }
0xe3: {  	[tilespmem:s21+$0x0] =	vst v63  }
.LBB2_16:
0xe4: {  	s3 =	sshra.s32 s16, $0x2  }
0xe5: {  	v0 =	vld [tilespmem:s3+$0x19780];
	_ =	sdelay $0x6  }
0xe6: {  	v1 =	vld [tilespmem:s3+$0x1B780]  }
0xe7: {  	v0 =	vld.idx.msk [tilespmem:v0+s5+$0x0], $0xffff;
	_ =	sdelay $0x1  }
0xe8: {  	p1 =	sne.s32 s16, $0x40  }
.Ltmp9:
0xe9: {  	_ = 	snop;
	(pc) =	sbr.rel @p1 .LBB2_16-.Ltmp9, $3  }
0xea: {  	_ = 	snop  }
0xeb: {  	v0 =	vadd.f32 v0, v1;
	_ =	sdelay $0x1  }
0xec: {  	s16 =	sadd.s32 $0x40, s16;
	[tilespmem:s3+$0x1D780] =	vst v0  }
0xed: {  	s3 =	sshrl.u32 s13, $0x3  }
0xee: {  	p1 =	seq.s32 s23, $0x18;
	s3 =	sadd.s32 s4, s3  }
0xef: {  	[hbm4b:s3+s5] =	stream.linear.scatter [tilespmem:s29], [sflag:$0x5], $0xFA0, $0x38;
	[tilespmem:$0x1F700] =	vst v63  }
0xf0: {  	s3 =	sadd.s32 @!p1 s12, s15  }
0xf1: {  	s3 =	sshrl.u32 @!p1 s3, $0x3  }
0xf2: {  	s13 =	simm.s32 @!p1 $0x18800;
	s12 =	simm.s32 @!p1 $0x0;
	s11 =	sadd.s32 @!p1 s2, s3  }
0xf3: {  	[tilespmem:s13], [sflag:$0x1] =	stream.linear.gather @!p1 [hbm4b:s11+s12], $0xFA0, $0x38;
	[tilespmem:$0x1F700] =	vst v63  }
0xf4: {  	s3 =	sadd.s32 @!p1 s1, s3;
	s11 =	simm.s32 @!p1 $0x1A800  }
0xf5: {  	[tilespmem:s11], [sflag:$0x3] =	stream.linear.gather @!p1 [hbm4b:s3+s12], $0xFA0, $0x38;
	[tilespmem:$0x1F700] =	vst v63  }
0xf6: {  	_ =	swait.ge [sflag:s30], $0xFA0  }
0xf7: {  	[sflag:s30] =	ssyncset.done $0x0  }
0xf8: {  	[sflag:s30] =	ssyncadd.s32 $0xFFFFF060  }
0xf9: {  	_ =	swait.ge [sflag:s31], $0xFA0  }
0xfa: {  	[sflag:s31] =	ssyncset.done $0x0  }
0xfb: {  	s3 =	simm.s32 @!p0 $0x6;
	[sflag:s31] =	ssyncadd.s32 $0xFFFFF060  }
0xfc: {  	_ =	swait.ge @!p0 [sflag:s3], $0xFA0  }
0xfd: {  	[sflag:s3] =	ssyncset.done @!p0 $0x0  }
0xfe: {  	s16 =	simm.s32 $0x19820;
	[sflag:s3] =	ssyncadd.s32 @!p0 $0xFFFFF060  }
0xff: {  	v0 =	vld [tilespmem:s16+$0x10]  }
0x100: {  	v1 =	vld [tilespmem:s16+$0xFFFFFFF0]  }
0x101: {  	v2 =	vld [tilespmem:s16+$0xFFFFFFE0]  }
0x102: {  	s17 =	simm.s32 $0x1B820;
	v3 =	vld [tilespmem:s16+$0x0]  }
0x103: {  	s21 =	simm.s32 $0x19860;
	v6 =	vld [tilespmem:s17+$0x10]  }
0x104: {  	v4 =	vld [tilespmem:s21+$0x10]  }
0x105: {  	v9 =	vld [tilespmem:s21+$0xFFFFFFF0]  }
0x106: {  	v10 =	vld [tilespmem:s21+$0xFFFFFFE0]  }
0x107: {  	v11 =	vld [tilespmem:s17+$0xFFFFFFE0]  }
0x108: {  	v12 =	vld [tilespmem:s17+$0xFFFFFFF0]  }
0x109: {  	s12 =	simm.s32 $0x0;
	v5 =	vld [tilespmem:s17+$0x0]  }
0x10a: {  	v0 =	vld.idx.msk [tilespmem:v0+s12+$0x0], $0xffff  }
0x10b: {  	v8 =	vld.idx.msk [tilespmem:v1+s12+$0x0], $0xffff  }
0x10c: {  	v7 =	vld.idx.msk [tilespmem:v2+s12+$0x0], $0xffff  }
0x10d: {  	v1 =	vld [tilespmem:s21+$0x0]  }
0x10e: {  	v2 =	vld.idx.msk [tilespmem:v3+s12+$0x0], $0xffff  }
0x10f: {  	s13 =	simm.s32 $0x1B860;
	v4 =	vld.idx.msk [tilespmem:v4+s12+$0x0], $0xffff  }
0x110: {  	v0 =	vadd.f32 v0, v6;
	v6 =	vld [tilespmem:s13+$0x10]  }
0x111: {  	s3 =	simm.s32 $0x1D820;
	v3 =	vld.idx.msk [tilespmem:v9+s12+$0x0], $0xffff;
	v7 =	vadd.f32 v7, v11  }
0x112: {  	s11 =	simm.s32 $0x4;
	s16 =	simm.s32 $0x198A0;
	v8 =	vadd.f32 v8, v12;
	[tilespmem:s3+$0x10] =	vst v0;
	v0 =	vld.idx.msk [tilespmem:v10+s12+$0x0], $0xffff  }
.LBB2_18:
0x113: {  	v9 =	vld [tilespmem:s16+$0x10];
	s11 =	sadd.s32 $0x4, s11;
	[tilespmem:s3+$0xFFFFFFE0] =	vst v7;
	v2 =	vadd.f32 v2, v5  }
0x114: {  	v7 =	vld [tilespmem:s16+$0xFFFFFFF0];
	p0 =	slt.u32 s11, $0xF4;
	[tilespmem:s3+$0xFFFFFFF0] =	vst v8  }
0x115: {  	v8 =	vld [tilespmem:s16+$0x0];
	v4 =	vadd.f32 v4, v6;
	[tilespmem:s3+$0x0] =	vst v2  }
0x116: {  	s3 =	sadd.s32 $0x40, s3;
	v10 =	vld [tilespmem:s16+$0xFFFFFFE0]  }
0x117: {  	v11 =	vmov v3;
	v2 =	vld.idx.msk [tilespmem:v1+s12+$0x0], $0xffff;
	[tilespmem:s3+$0x10] =	vst v4  }
0x118: {  	v12 =	vld [tilespmem:s13+$0xFFFFFFE0]  }
0x119: {  	v13 =	vld [tilespmem:s13+$0xFFFFFFF0]  }
.Ltmp10:
0x11a: {  	v5 =	vld [tilespmem:s13+$0x0];
	v1 =	vmov v8;
	(pc) =	sbr.rel @p0 .LBB2_18-.Ltmp10, $4  }
0x11b: {  	s13 =	sadd.s32 $0x40, s13;
	v4 =	vld.idx.msk [tilespmem:v9+s12+$0x0], $0xffff  }
0x11c: {  	v6 =	vld [tilespmem:s13+$0x10]  }
0x11d: {  	v3 =	vld.idx.msk [tilespmem:v7+s12+$0x0], $0xffff;
	v7 =	vadd.f32 v0, v12  }
0x11e: {  	s16 =	sadd.s32 $0x40, s16;
	v0 =	vld.idx.msk [tilespmem:v10+s12+$0x0], $0xffff;
	v8 =	vadd.f32 v11, v13  }
0x11f: {  	_ =	sdelay $0x3  }
0x120: {  	v1 =	vld.idx.msk [tilespmem:v1+s12+$0x0], $0xffff  }
0x121: {  	v9 =	vld [tilespmem:s13+$0xFFFFFFE0]  }
0x122: {  	v10 =	vld [tilespmem:s13+$0xFFFFFFF0]  }
0x123: {  	v11 =	vld [tilespmem:s13+$0x0]  }
0x124: {  	[tilespmem:s3+$0xFFFFFFE0] =	vst v7;
	v2 =	vadd.f32 v2, v5  }
0x125: {  	[tilespmem:s3+$0xFFFFFFF0] =	vst v8;
	v4 =	vadd.f32 v4, v6  }
0x126: {  	s21 =	sadd.s32 $0x40, s3;
	[tilespmem:s3+$0x0] =	vst v2;
	v0 =	vadd.f32 v0, v9  }
0x127: {  	[tilespmem:s21+$0x10] =	vst v4;
	v62 =	vadd.f32 v3, v10  }
0x128: {  	v63 =	vadd.f32 v1, v11;
	[tilespmem:s21+$0xFFFFFFE0] =	vst v0  }
0x129: {  	[tilespmem:s21+$0xFFFFFFF0] =	vst v62  }
0x12a: {  	[tilespmem:s21+$0x0] =	vst v63  }
.LBB2_20:
0x12b: {  	s3 =	sshra.s32 s12, $0x2  }
0x12c: {  	v0 =	vld [tilespmem:s3+$0x1A780];
	_ =	sdelay $0x6  }
0x12d: {  	v1 =	vld [tilespmem:s3+$0x1C780]  }
0x12e: {  	v0 =	vld.idx.msk [tilespmem:v0+s5+$0x0], $0xffff;
	_ =	sdelay $0x1  }
0x12f: {  	p0 =	sne.s32 s12, $0x40  }
.Ltmp11:
0x130: {  	_ = 	snop;
	(pc) =	sbr.rel @p0 .LBB2_20-.Ltmp11, $3  }
0x131: {  	_ = 	snop  }
0x132: {  	v0 =	vadd.f32 v0, v1;
	_ =	sdelay $0x1  }
0x133: {  	s12 =	sadd.s32 $0x40, s12;
	[tilespmem:s3+$0x1E780] =	vst v0  }
0x134: {  	s23 =	sadd.s32 $0x1, s23  }
0x135: {  	p0 =	sne.s32 s23, $0x19  }
.Ltmp12:
0x136: {  	_ = 	snop;
	(pc) =	sbr.rel @p0 .LBB2_13-.Ltmp12, $3  }
0x137: {  	_ =	sdelay $0x1  }
0x138: {  	s3 =	sadd.s32 s4, s10  }
0x139: {  	[hbm4b:s3+s5] =	stream.linear.scatter [tilespmem:s0], [sflag:$0x6], $0xFA0, $0x38;
	[tilespmem:$0x1F700] =	vst v63  }
0x13a: {  	s3 =	simm.s32 $0x5  }
0x13b: {  	_ =	swait.ge [sflag:s3], $0xFA0  }
0x13c: {  	[sflag:s3] =	ssyncset.done $0x0  }
0x13d: {  	s10 =	simm.s32 $0x6;
	[sflag:s3] =	ssyncadd.s32 $0xFFFFF060  }
0x13e: {  	_ =	swait.ge [sflag:s10], $0xFA0  }
0x13f: {  	s19 =	sadd.s32 $0x1, s19;
	s23 =	rddreg [dreg:$0x9]  }
0x140: {  	p0 =	sne.s32 s19, s23  }
.Ltmp13:
0x141: {  	_ = 	snop;
	(pc) =	sbr.rel @p0 .LBB2_1-.Ltmp13, $3  }
0x142: {  	_ =	sdelay $0x1  }
0x143: {  	[sflag:s10] =	ssyncset.done $0x0  }
0x144: {  	[sflag:s10] =	ssyncadd.s32 $0xFFFFF060  }
0x145: {  	_ =	sfence.sel $0x180000  }
0x146: {  	[bflag:$0x0] =	sbarrier.arrive $0xFFFF  }
0x147: {  	_ =	strace $0x9000004A  }
0x148: {  	s0 =	stileid.u32;
	[bflag:$0x2] =	sbarrier.arrive $0xFFFF  }
0x149: {  	p0 =	sne.s32 s0, $0x0;
	s0 =	rddreg [dreg:$0x4]  }
0x14a: {  	s0 =	sadd.s32 @!p0 $0x100000, s0  }
0x14b: {  	[sflag:s0] =	ssyncadd.tile.s32 @!p0 $0x1;
	_ =	shalt  }
.Lfunc_end2:
_tile_overlayer_lowered:
.L_overlay_start_2:
0x14c: {  	(tag) =	ssettag $0x2  }
0x14d: {  	s0 =	rddreg [dreg:$0x0];
	s2 =	stileid.u32  }
0x14e: {  	s1 =	rddreg [dreg:$0x1];
	p0 =	sne.s32 s2, $0x0  }
0x14f: {  	s3 =	rddreg [dreg:$0x2];
	[bflag:$0x3] =	sbarrier.arrive $0xFFFF;
	s2 =	simm.s32 @!p0 $0x1C08  }
0x150: {  	[timem:s3], [sflag:s2] =	dma.local @!p0 [hbm:s0], s1  }
0x151: {  	s0 =	simm.s32 @!p0 $0x8  }
0x152: {  	_ =	swait.ge @!p0 [sflag:s0], s1  }
0x153: {  	s1 =	ssub.s32 @!p0 $0x0, s1;
	[sflag:s0] =	ssyncset.done @!p0 $0x0  }
0x154: {  	[sflag:s0] =	ssyncadd.s32 @!p0 s1  }
0x155: {  	[bflag:$0x3] =	sbarrier.arrive $0xFFFF  }
0x156: {  	_ =	shalt  }

</sc_bundles>
